<compile_context>
chip_gen: v7x
topology: tpu7x:2x2x1
jax: 0.10.2.dev20260603
libtpu: 0.0.44.dev20260713+nightly
codegen_flags: <defaults>
</compile_context>

<pallas_src>
import functools

import jax
import jax.numpy as jnp
from jax import lax
from jax.experimental import pallas as pl
from jax.experimental.pallas import tpu as pltpu
from jax.experimental.pallas import tpu_sc as plsc

A1 = 0.3981
A2 = 4.4211
LANES = 16
TILE = 128
N_WORKERS = 32
CHUNK_TILES = 65
CHUNK = CHUNK_TILES * TILE
N_CHUNKS = 6


def _pow6(x):
    x2 = x * x
    return x2 * x2 * x2


def _damp16(idx, damp_tbl):
    return lax.gather(
        damp_tbl, idx[:, None],
        lax.GatherDimensionNumbers(offset_dims=(),
                                   collapsed_slice_dims=(0,),
                                   start_index_map=(0,)),
        slice_sizes=(1,),
        mode=lax.GatherScatterMode.PROMISE_IN_BOUNDS)


def _tec_body(n_extra_workers, species_hbm, dist_hbm, table_hbm, out_hbm,
              tbl_v, sa, sb, da, db, oa, ob, se_v, de_v, oe_v, sems):
    nc = 2
    wid = lax.axis_index("s") * nc + lax.axis_index("c")
    start = (wid * (N_CHUNKS * CHUNK_TILES)
             + jnp.minimum(wid, n_extra_workers)) * TILE
    bufs = [(sa, da, oa), (sb, db, ob)]

    pltpu.sync_copy(table_hbm, tbl_v)
    damp_tbl = _pow6(A1 * tbl_v[...] + A2)

    def in_copies(c, b):
        off = start + c * CHUNK
        s_v, d_v, _ = bufs[b]
        return [
            pltpu.make_async_copy(species_hbm.at[:, pl.ds(off, CHUNK)],
                                  s_v, sems.at[0, b]),
            pltpu.make_async_copy(dist_hbm.at[pl.ds(off, CHUNK)],
                                  d_v, sems.at[1, b]),
        ]

    def out_copy(c, b):
        off = start + c * CHUNK
        return pltpu.make_async_copy(bufs[b][2],
                                     out_hbm.at[pl.ds(off, CHUNK)],
                                     sems.at[2, b])

    for cp in in_copies(0, 0):
        cp.start()

    for c in range(N_CHUNKS):
        b = c % 2
        s_v, d_v, o_v = bufs[b]

        if c + 1 < N_CHUNKS:
            for cp in in_copies(c + 1, (c + 1) % 2):
                cp.start()

        for cp in in_copies(c, b):
            cp.wait()
        if c >= 2:
            out_copy(c - 2, b).wait()

        @plsc.parallel_loop(0, CHUNK // LANES, unroll=8)
        def vec_body(i):
            sl = pl.ds(i * LANES, LANES)
            idx = s_v[0, sl] * 4 + s_v[1, sl]
            o_v[sl] = _pow6(d_v[sl]) + _damp16(idx, damp_tbl)

        out_copy(c, b).start()

    if N_CHUNKS >= 2:
        out_copy(N_CHUNKS - 2, (N_CHUNKS - 2) % 2).wait()
    out_copy(N_CHUNKS - 1, (N_CHUNKS - 1) % 2).wait()

    @pl.when(wid < n_extra_workers)
    def _():
        off = start + N_CHUNKS * CHUNK
        pltpu.sync_copy(species_hbm.at[:, pl.ds(off, TILE)], se_v)
        pltpu.sync_copy(dist_hbm.at[pl.ds(off, TILE)], de_v)

        @plsc.parallel_loop(0, TILE // LANES, unroll=4)
        def vec_body(i):
            sl = pl.ds(i * LANES, LANES)
            idx = se_v[0, sl] * 4 + se_v[1, sl]
            oe_v[sl] = _pow6(de_v[sl]) + _damp16(idx, damp_tbl)
        pltpu.sync_copy(oe_v, out_hbm.at[pl.ds(off, TILE)])


def kernel(species12, distances, cutoff_radii):
    P = distances.shape[0]
    n_tiles = P // TILE
    assert n_tiles * TILE == P
    n_extra = n_tiles - N_WORKERS * N_CHUNKS * CHUNK_TILES
    assert 0 <= n_extra < N_WORKERS

    mesh = plsc.VectorSubcoreMesh(core_axis_name="c", subcore_axis_name="s")
    run = pl.kernel(
        functools.partial(_tec_body, n_extra),
        mesh=mesh,
        out_type=jax.ShapeDtypeStruct((P,), jnp.float32),
        scratch_types=[
            pltpu.VMEM((16,), jnp.float32),
            pltpu.VMEM((2, CHUNK), jnp.int32),
            pltpu.VMEM((2, CHUNK), jnp.int32),
            pltpu.VMEM((CHUNK,), jnp.float32),
            pltpu.VMEM((CHUNK,), jnp.float32),
            pltpu.VMEM((CHUNK,), jnp.float32),
            pltpu.VMEM((CHUNK,), jnp.float32),
            pltpu.VMEM((2, TILE), jnp.int32),
            pltpu.VMEM((TILE,), jnp.float32),
            pltpu.VMEM((TILE,), jnp.float32),
            pltpu.SemaphoreType.DMA((3, 2)),
        ],
    )
    return run(species12.astype(jnp.int32), distances.astype(jnp.float32),
               cutoff_radii.astype(jnp.float32).reshape(16))

# --- scband reference (transcript-rebuilt; emitter-appended) ---
"""Pipeline reference for scband-bjdamp-37434934952135 (READ-ONLY COPY).

The authoritative reference and input builder live on the scoring server;
editing this copy changes nothing except your own understanding.
"""

import jax, jax.numpy as jnp
import numpy as np

A1 = 0.3981
A2 = 4.4211
ORDER = 6
P = 1_600_000
T = 4


def setup_inputs(seed: int = 0) -> dict:
    key = jax.random.key(seed)
    k1, k2 = jax.random.split(key)
    species12 = jax.random.randint(k1, (2, P), 0, T, dtype=jnp.int64 if jax.config.jax_enable_x64 else jnp.int32)
    # interatomic distances in Bohr, strictly positive
    distances = jax.random.uniform(k2, (P,), dtype=jnp.float32) * 5.0 + 0.5
    cutoff_radii = jnp.array([[3.0, 3.3, 3.2, 3.1],
                              [3.3, 3.9, 3.8, 3.7],
                              [3.2, 3.8, 3.7, 3.6],
                              [3.1, 3.7, 3.6, 3.5]], dtype=jnp.float32)
    return {"species12": species12, "distances": distances, "cutoff_radii": cutoff_radii}


def reference(species12, distances, cutoff_radii):
    # gather pairwise cutoff radii from the T x T table (embedding-style 2D lookup)
    r0 = cutoff_radii[species12[0], species12[1]]
    damp_term = jnp.power(A1 * r0 + A2, ORDER)
    return jnp.power(distances, ORDER) + damp_term

if __name__ == "__main__":
    import jax
    _d = setup_inputs()
    print(jax.jit(kernel)(*tuple(_d.values())))

</pallas_src>

<mosaic_0001>
#map = affine_map<(d0, d1) -> (0, 0)>
#map1 = affine_map<(d0, d1) -> (0)>
module attributes {stable_mosaic.version = 14 : i64} {
  func.func @_tec_body(%arg0: i32, %arg1: i32, %arg2: memref<2x1600000xi32, #tpu.memory_space<hbm>>, %arg3: memref<1600000xf32, #tpu.memory_space<hbm>>, %arg4: memref<16xf32, #tpu.memory_space<hbm>>, %arg5: memref<1600000xf32, #tpu.memory_space<hbm>>, %arg6: memref<16xf32, #tpu.memory_space<vmem>>, %arg7: memref<2x8320xi32, #tpu.memory_space<vmem>>, %arg8: memref<2x8320xi32, #tpu.memory_space<vmem>>, %arg9: memref<8320xf32, #tpu.memory_space<vmem>>, %arg10: memref<8320xf32, #tpu.memory_space<vmem>>, %arg11: memref<8320xf32, #tpu.memory_space<vmem>>, %arg12: memref<8320xf32, #tpu.memory_space<vmem>>, %arg13: memref<2x128xi32, #tpu.memory_space<vmem>>, %arg14: memref<128xf32, #tpu.memory_space<vmem>>, %arg15: memref<128xf32, #tpu.memory_space<vmem>>, %arg16: memref<3x2x!tpu.dma_semaphore, #tpu.memory_space<semaphore_mem>>) attributes {dimension_semantics = [#tpu.dimension_semantics<core_parallel>, #tpu.dimension_semantics<subcore_parallel>], iteration_bounds = array<i64: 2, 16>, scalar_prefetch = 0 : i64, scratch_operands = 11 : i64, tpu.core_type = #tpu.core_type<sc_vector_subcore>, window_params = [{transform_indices = #map}, {transform_indices = #map1}, {transform_indices = #map1}, {transform_indices = #map1}]} {
    %mul3A = arith.constant 2 : i32
    %mul3A_0 = arith.muli %arg1, %mul3A : i32
    %add3A = arith.addi %mul3A_0, %arg0 : i32
    %mul3A_1 = arith.constant 390 : i32
    %mul3A_2 = arith.muli %add3A, %mul3A_1 : i32
    %min3A = arith.constant 20 : i32
    %min3A_3 = arith.minsi %add3A, %min3A : i32
    %add3A_4 = arith.addi %mul3A_2, %min3A_3 : i32
    %mul3A_5 = arith.constant 128 : i32
    %mul3A_6 = arith.muli %add3A_4, %mul3A_5 : i32
    "tpu.region"() ({
      %run_scoped3A = tpu.sem_alloc : memref<!tpu.dma_semaphore, #tpu.memory_space<semaphore_mem>>
      tpu.enqueue_dma source(%arg4 : memref<16xf32, #tpu.memory_space<hbm>>) target(%arg6 : memref<16xf32, #tpu.memory_space<vmem>>) target_semaphore(%run_scoped3A : memref<!tpu.dma_semaphore, #tpu.memory_space<semaphore_mem>>)
      tpu.wait_dma2 semaphore(%run_scoped3A : memref<!tpu.dma_semaphore, #tpu.memory_space<semaphore_mem>>) src(%arg4 : memref<16xf32, #tpu.memory_space<hbm>>) dst(%arg6 : memref<16xf32, #tpu.memory_space<vmem>>)
      tpu.yield
    }) : () -> ()
    %get3A = arith.constant 0 : index
    %get3A_7 = tpu.vector_load %arg6[%get3A] {strides = array<i32>} : memref<16xf32, #tpu.memory_space<vmem>>, vector<16xf32>,
    %get3A_8 = vector.shape_cast %get3A_7 : vector<16xf32> to vector<16xf32>
    %mul3A_9 = arith.constant 3.981000e-01 : f32
    %mul3A_10 = vector.broadcast %mul3A_9 : f32 to vector<16xf32>
    %mul3A_11 = arith.mulf %mul3A_10, %get3A_8 : vector<16xf32>
    %add3A_12 = arith.constant 4.421100e+00 : f32
    %add3A_13 = vector.broadcast %add3A_12 : f32 to vector<16xf32>
    %add3A_14 = arith.addf %mul3A_11, %add3A_13 : vector<16xf32>
    %mul3A_15 = arith.mulf %add3A_14, %add3A_14 : vector<16xf32>
    %mul3A_16 = arith.mulf %mul3A_15, %mul3A_15 : vector<16xf32>
    %mul3A_17 = arith.mulf %mul3A_16, %mul3A_15 : vector<16xf32>
    %add3A_18 = arith.constant 0 : i32
    %add3A_19 = arith.addi %mul3A_6, %add3A_18 : i32
    %dma_start3A = arith.constant 0 : i32
    %dma_start3A_20 = arith.constant 0 : i32
    %dma_start3A_21 = arith.constant 0 : i32
    %dma_start3A_22 = tpu.memref_slice %arg2[%dma_start3A_21, %add3A_19] : memref<2x1600000xi32, #tpu.memory_space<hbm>> -> memref<2x8320xi32, #tpu.memory_space<hbm>>
    %dma_start3A_23 = tpu.memref_slice %arg16[%dma_start3A, %dma_start3A_20] : memref<3x2x!tpu.dma_semaphore, #tpu.memory_space<semaphore_mem>> -> memref<1x1x!tpu.dma_semaphore, #tpu.memory_space<semaphore_mem>>
    %dma_start3A_24 = tpu.memref_squeeze %dma_start3A_23 : memref<1x1x!tpu.dma_semaphore, #tpu.memory_space<semaphore_mem>> -> memref<!tpu.dma_semaphore, #tpu.memory_space<semaphore_mem>>
    %dma_start3A_25 = arith.constant 0 : i32
    %dma_start3A_26 = tpu.memref_slice %arg2[%dma_start3A_25, %add3A_19] : memref<2x1600000xi32, #tpu.memory_space<hbm>> -> memref<2x8320xi32, #tpu.memory_space<hbm>>
    tpu.enqueue_dma source(%dma_start3A_26 : memref<2x8320xi32, #tpu.memory_space<hbm>>) target(%arg7 : memref<2x8320xi32, #tpu.memory_space<vmem>>) target_semaphore(%dma_start3A_24 : memref<!tpu.dma_semaphore, #tpu.memory_space<semaphore_mem>>)
    %dma_start3A_27 = arith.constant 1 : i32
    %dma_start3A_28 = arith.constant 0 : i32
    %dma_start3A_29 = tpu.memref_slice %arg3[%add3A_19] : memref<1600000xf32, #tpu.memory_space<hbm>> -> memref<8320xf32, #tpu.memory_space<hbm>>
    %dma_start3A_30 = tpu.memref_slice %arg16[%dma_start3A_27, %dma_start3A_28] : memref<3x2x!tpu.dma_semaphore, #tpu.memory_space<semaphore_mem>> -> memref<1x1x!tpu.dma_semaphore, #tpu.memory_space<semaphore_mem>>
    %dma_start3A_31 = tpu.memref_squeeze %dma_start3A_30 : memref<1x1x!tpu.dma_semaphore, #tpu.memory_space<semaphore_mem>> -> memref<!tpu.dma_semaphore, #tpu.memory_space<semaphore_mem>>
    %dma_start3A_32 = tpu.memref_slice %arg3[%add3A_19] : memref<1600000xf32, #tpu.memory_space<hbm>> -> memref<8320xf32, #tpu.memory_space<hbm>>
    tpu.enqueue_dma source(%dma_start3A_32 : memref<8320xf32, #tpu.memory_space<hbm>>) target(%arg9 : memref<8320xf32, #tpu.memory_space<vmem>>) target_semaphore(%dma_start3A_31 : memref<!tpu.dma_semaphore, #tpu.memory_space<semaphore_mem>>)
    %add3A_33 = arith.constant 8320 : i32
    %add3A_34 = arith.addi %mul3A_6, %add3A_33 : i32
    %dma_start3A_35 = arith.constant 0 : i32
    %dma_start3A_36 = arith.constant 1 : i32
    %dma_start3A_37 = arith.constant 0 : i32
    %dma_start3A_38 = tpu.memref_slice %arg2[%dma_start3A_37, %add3A_34] : memref<2x1600000xi32, #tpu.memory_space<hbm>> -> memref<2x8320xi32, #tpu.memory_space<hbm>>
    %dma_start3A_39 = tpu.memref_slice %arg16[%dma_start3A_35, %dma_start3A_36] : memref<3x2x!tpu.dma_semaphore, #tpu.memory_space<semaphore_mem>> -> memref<1x1x!tpu.dma_semaphore, #tpu.memory_space<semaphore_mem>>
    %dma_start3A_40 = tpu.memref_squeeze %dma_start3A_39 : memref<1x1x!tpu.dma_semaphore, #tpu.memory_space<semaphore_mem>> -> memref<!tpu.dma_semaphore, #tpu.memory_space<semaphore_mem>>
    %dma_start3A_41 = arith.constant 0 : i32
    %dma_start3A_42 = tpu.memref_slice %arg2[%dma_start3A_41, %add3A_34] : memref<2x1600000xi32, #tpu.memory_space<hbm>> -> memref<2x8320xi32, #tpu.memory_space<hbm>>
    tpu.enqueue_dma source(%dma_start3A_42 : memref<2x8320xi32, #tpu.memory_space<hbm>>) target(%arg8 : memref<2x8320xi32, #tpu.memory_space<vmem>>) target_semaphore(%dma_start3A_40 : memref<!tpu.dma_semaphore, #tpu.memory_space<semaphore_mem>>)
    %dma_start3A_43 = arith.constant 1 : i32
    %dma_start3A_44 = arith.constant 1 : i32
    %dma_start3A_45 = tpu.memref_slice %arg3[%add3A_34] : memref<1600000xf32, #tpu.memory_space<hbm>> -> memref<8320xf32, #tpu.memory_space<hbm>>
    %dma_start3A_46 = tpu.memref_slice %arg16[%dma_start3A_43, %dma_start3A_44] : memref<3x2x!tpu.dma_semaphore, #tpu.memory_space<semaphore_mem>> -> memref<1x1x!tpu.dma_semaphore, #tpu.memory_space<semaphore_mem>>
    %dma_start3A_47 = tpu.memref_squeeze %dma_start3A_46 : memref<1x1x!tpu.dma_semaphore, #tpu.memory_space<semaphore_mem>> -> memref<!tpu.dma_semaphore, #tpu.memory_space<semaphore_mem>>
    %dma_start3A_48 = tpu.memref_slice %arg3[%add3A_34] : memref<1600000xf32, #tpu.memory_space<hbm>> -> memref<8320xf32, #tpu.memory_space<hbm>>
    tpu.enqueue_dma source(%dma_start3A_48 : memref<8320xf32, #tpu.memory_space<hbm>>) target(%arg10 : memref<8320xf32, #tpu.memory_space<vmem>>) target_semaphore(%dma_start3A_47 : memref<!tpu.dma_semaphore, #tpu.memory_space<semaphore_mem>>)
    %add3A_49 = arith.constant 0 : i32
    %add3A_50 = arith.addi %mul3A_6, %add3A_49 : i32
    %dma_wait3A = arith.constant 0 : i32
    %dma_wait3A_51 = arith.constant 0 : i32
    %dma_wait3A_52 = arith.constant 0 : i32
    %dma_wait3A_53 = tpu.memref_slice %arg2[%dma_wait3A_52, %add3A_50] : memref<2x1600000xi32, #tpu.memory_space<hbm>> -> memref<2x8320xi32, #tpu.memory_space<hbm>>
    %dma_wait3A_54 = tpu.memref_slice %arg16[%dma_wait3A, %dma_wait3A_51] : memref<3x2x!tpu.dma_semaphore, #tpu.memory_space<semaphore_mem>> -> memref<1x1x!tpu.dma_semaphore, #tpu.memory_space<semaphore_mem>>
    %dma_wait3A_55 = tpu.memref_squeeze %dma_wait3A_54 : memref<1x1x!tpu.dma_semaphore, #tpu.memory_space<semaphore_mem>> -> memref<!tpu.dma_semaphore, #tpu.memory_space<semaphore_mem>>
    %dma_wait3A_56 = arith.constant 0 : i32
    %dma_wait3A_57 = tpu.memref_slice %arg2[%dma_wait3A_56, %add3A_50] : memref<2x1600000xi32, #tpu.memory_space<hbm>> -> memref<2x8320xi32, #tpu.memory_space<hbm>>
    tpu.wait_dma2 semaphore(%dma_wait3A_55 : memref<!tpu.dma_semaphore, #tpu.memory_space<semaphore_mem>>) src(%dma_wait3A_57 : memref<2x8320xi32, #tpu.memory_space<hbm>>) dst(%arg7 : memref<2x8320xi32, #tpu.memory_space<vmem>>)
    %dma_wait3A_58 = arith.constant 1 : i32
    %dma_wait3A_59 = arith.constant 0 : i32
    %dma_wait3A_60 = tpu.memref_slice %arg3[%add3A_50] : memref<1600000xf32, #tpu.memory_space<hbm>> -> memref<8320xf32, #tpu.memory_space<hbm>>
    %dma_wait3A_61 = tpu.memref_slice %arg16[%dma_wait3A_58, %dma_wait3A_59] : memref<3x2x!tpu.dma_semaphore, #tpu.memory_space<semaphore_mem>> -> memref<1x1x!tpu.dma_semaphore, #tpu.memory_space<semaphore_mem>>
    %dma_wait3A_62 = tpu.memref_squeeze %dma_wait3A_61 : memref<1x1x!tpu.dma_semaphore, #tpu.memory_space<semaphore_mem>> -> memref<!tpu.dma_semaphore, #tpu.memory_space<semaphore_mem>>
    %dma_wait3A_63 = tpu.memref_slice %arg3[%add3A_50] : memref<1600000xf32, #tpu.memory_space<hbm>> -> memref<8320xf32, #tpu.memory_space<hbm>>
    tpu.wait_dma2 semaphore(%dma_wait3A_62 : memref<!tpu.dma_semaphore, #tpu.memory_space<semaphore_mem>>) src(%dma_wait3A_63 : memref<8320xf32, #tpu.memory_space<hbm>>) dst(%arg9 : memref<8320xf32, #tpu.memory_space<vmem>>)
    %parallel_loop3A = arith.constant 0 : i32
    %parallel_loop3A_64 = arith.constant 520 : i32
    %parallel_loop3A_65 = arith.constant 1 : i32
    scf.for %parallel_loop3A_323 = %parallel_loop3A to %parallel_loop3A_64 step %parallel_loop3A_65  : i32 {
      %parallel_loop3A_324 = arith.constant 16 : i32
      %parallel_loop3A_325 = arith.muli %parallel_loop3A_323, %parallel_loop3A_324 : i32
      %parallel_loop3A_326 = arith.constant 0 : i32
      %parallel_loop3A_327 = arith.index_cast %parallel_loop3A_326 : i32 to index
      %parallel_loop3A_328 = arith.index_cast %parallel_loop3A_325 : i32 to index
      %parallel_loop3A_329 = tpu.vector_load %arg7[%parallel_loop3A_327, %parallel_loop3A_328] {strides = array<i32>} : memref<2x8320xi32, #tpu.memory_space<vmem>>, vector<1x16xi32>,
      %parallel_loop3A_330 = vector.shape_cast %parallel_loop3A_329 : vector<1x16xi32> to vector<16xi32>
      %parallel_loop3A_331 = arith.constant 4 : i32
      %parallel_loop3A_332 = vector.broadcast %parallel_loop3A_331 : i32 to vector<16xi32>
      %parallel_loop3A_333 = arith.muli %parallel_loop3A_330, %parallel_loop3A_332 : vector<16xi32>
      %parallel_loop3A_334 = arith.constant 1 : i32
      %parallel_loop3A_335 = arith.index_cast %parallel_loop3A_334 : i32 to index
      %parallel_loop3A_336 = arith.index_cast %parallel_loop3A_325 : i32 to index
      %parallel_loop3A_337 = tpu.vector_load %arg7[%parallel_loop3A_335, %parallel_loop3A_336] {strides = array<i32>} : memref<2x8320xi32, #tpu.memory_space<vmem>>, vector<1x16xi32>,
      %parallel_loop3A_338 = vector.shape_cast %parallel_loop3A_337 : vector<1x16xi32> to vector<16xi32>
      %parallel_loop3A_339 = arith.addi %parallel_loop3A_333, %parallel_loop3A_338 : vector<16xi32>
      %parallel_loop3A_340 = arith.index_cast %parallel_loop3A_325 : i32 to index
      %parallel_loop3A_341 = tpu.vector_load %arg9[%parallel_loop3A_340] {strides = array<i32>} : memref<8320xf32, #tpu.memory_space<vmem>>, vector<16xf32>,
      %parallel_loop3A_342 = vector.shape_cast %parallel_loop3A_341 : vector<16xf32> to vector<16xf32>
      %parallel_loop3A_343 = arith.mulf %parallel_loop3A_342, %parallel_loop3A_342 : vector<16xf32>
      %parallel_loop3A_344 = arith.mulf %parallel_loop3A_343, %parallel_loop3A_343 : vector<16xf32>
      %parallel_loop3A_345 = arith.mulf %parallel_loop3A_344, %parallel_loop3A_343 : vector<16xf32>
      %parallel_loop3A_346 = vector.shape_cast %parallel_loop3A_339 : vector<16xi32> to vector<16x1xi32>
      %parallel_loop3A_347 = vector.shape_cast %parallel_loop3A_346 : vector<16x1xi32> to vector<16xi32>
      %parallel_loop3A_348 = tpu.dynamic_gather %mul3A_17[%parallel_loop3A_347] in [0] : vector<16xf32>, vector<16xi32> -> vector<16xf32>
      %parallel_loop3A_349 = arith.addf %parallel_loop3A_345, %parallel_loop3A_348 : vector<16xf32>
      %parallel_loop3A_350 = arith.index_cast %parallel_loop3A_325 : i32 to index
      %parallel_loop3A_351 = tpu.vector_load %arg11[%parallel_loop3A_350] {strides = array<i32>} : memref<8320xf32, #tpu.memory_space<vmem>>, vector<16xf32>,
      %parallel_loop3A_352 = vector.shape_cast %parallel_loop3A_351 : vector<16xf32> to vector<16xf32>
      %parallel_loop3A_353 = vector.shape_cast %parallel_loop3A_349 : vector<16xf32> to vector<16xf32>
      tpu.vector_store %arg11[%parallel_loop3A_350], %parallel_loop3A_353 {strides = array<i32>} : memref<8320xf32, #tpu.memory_space<vmem>>, vector<16xf32>,
    } {sc.loop_unroll_factor = 8 : i64, sc.parallel_access}
    %add3A_66 = arith.constant 0 : i32
    %add3A_67 = arith.addi %mul3A_6, %add3A_66 : i32
    %dma_start3A_68 = arith.constant 2 : i32
    %dma_start3A_69 = arith.constant 0 : i32
    %dma_start3A_70 = tpu.memref_slice %arg5[%add3A_67] : memref<1600000xf32, #tpu.memory_space<hbm>> -> memref<8320xf32, #tpu.memory_space<hbm>>
    %dma_start3A_71 = tpu.memref_slice %arg16[%dma_start3A_68, %dma_start3A_69] : memref<3x2x!tpu.dma_semaphore, #tpu.memory_space<semaphore_mem>> -> memref<1x1x!tpu.dma_semaphore, #tpu.memory_space<semaphore_mem>>
    %dma_start3A_72 = tpu.memref_squeeze %dma_start3A_71 : memref<1x1x!tpu.dma_semaphore, #tpu.memory_space<semaphore_mem>> -> memref<!tpu.dma_semaphore, #tpu.memory_space<semaphore_mem>>
    %dma_start3A_73 = tpu.memref_slice %arg5[%add3A_67] : memref<1600000xf32, #tpu.memory_space<hbm>> -> memref<8320xf32, #tpu.memory_space<hbm>>
    tpu.enqueue_dma source(%arg11 : memref<8320xf32, #tpu.memory_space<vmem>>) target(%dma_start3A_73 : memref<8320xf32, #tpu.memory_space<hbm>>) target_semaphore(%dma_start3A_72 : memref<!tpu.dma_semaphore, #tpu.memory_space<semaphore_mem>>)
    %add3A_74 = arith.constant 16640 : i32
    %add3A_75 = arith.addi %mul3A_6, %add3A_74 : i32
    %dma_start3A_76 = arith.constant 0 : i32
    %dma_start3A_77 = arith.constant 0 : i32
    %dma_start3A_78 = arith.constant 0 : i32
    %dma_start3A_79 = tpu.memref_slice %arg2[%dma_start3A_78, %add3A_75] : memref<2x1600000xi32, #tpu.memory_space<hbm>> -> memref<2x8320xi32, #tpu.memory_space<hbm>>
    %dma_start3A_80 = tpu.memref_slice %arg16[%dma_start3A_76, %dma_start3A_77] : memref<3x2x!tpu.dma_semaphore, #tpu.memory_space<semaphore_mem>> -> memref<1x1x!tpu.dma_semaphore, #tpu.memory_space<semaphore_mem>>
    %dma_start3A_81 = tpu.memref_squeeze %dma_start3A_80 : memref<1x1x!tpu.dma_semaphore, #tpu.memory_space<semaphore_mem>> -> memref<!tpu.dma_semaphore, #tpu.memory_space<semaphore_mem>>
    %dma_start3A_82 = arith.constant 0 : i32
    %dma_start3A_83 = tpu.memref_slice %arg2[%dma_start3A_82, %add3A_75] : memref<2x1600000xi32, #tpu.memory_space<hbm>> -> memref<2x8320xi32, #tpu.memory_space<hbm>>
    tpu.enqueue_dma source(%dma_start3A_83 : memref<2x8320xi32, #tpu.memory_space<hbm>>) target(%arg7 : memref<2x8320xi32, #tpu.memory_space<vmem>>) target_semaphore(%dma_start3A_81 : memref<!tpu.dma_semaphore, #tpu.memory_space<semaphore_mem>>)
    %dma_start3A_84 = arith.constant 1 : i32
    %dma_start3A_85 = arith.constant 0 : i32
    %dma_start3A_86 = tpu.memref_slice %arg3[%add3A_75] : memref<1600000xf32, #tpu.memory_space<hbm>> -> memref<8320xf32, #tpu.memory_space<hbm>>
    %dma_start3A_87 = tpu.memref_slice %arg16[%dma_start3A_84, %dma_start3A_85] : memref<3x2x!tpu.dma_semaphore, #tpu.memory_space<semaphore_mem>> -> memref<1x1x!tpu.dma_semaphore, #tpu.memory_space<semaphore_mem>>
    %dma_start3A_88 = tpu.memref_squeeze %dma_start3A_87 : memref<1x1x!tpu.dma_semaphore, #tpu.memory_space<semaphore_mem>> -> memref<!tpu.dma_semaphore, #tpu.memory_space<semaphore_mem>>
    %dma_start3A_89 = tpu.memref_slice %arg3[%add3A_75] : memref<1600000xf32, #tpu.memory_space<hbm>> -> memref<8320xf32, #tpu.memory_space<hbm>>
    tpu.enqueue_dma source(%dma_start3A_89 : memref<8320xf32, #tpu.memory_space<hbm>>) target(%arg9 : memref<8320xf32, #tpu.memory_space<vmem>>) target_semaphore(%dma_start3A_88 : memref<!tpu.dma_semaphore, #tpu.memory_space<semaphore_mem>>)
    %add3A_90 = arith.constant 8320 : i32
    %add3A_91 = arith.addi %mul3A_6, %add3A_90 : i32
    %dma_wait3A_92 = arith.constant 0 : i32
    %dma_wait3A_93 = arith.constant 1 : i32
    %dma_wait3A_94 = arith.constant 0 : i32
    %dma_wait3A_95 = tpu.memref_slice %arg2[%dma_wait3A_94, %add3A_91] : memref<2x1600000xi32, #tpu.memory_space<hbm>> -> memref<2x8320xi32, #tpu.memory_space<hbm>>
    %dma_wait3A_96 = tpu.memref_slice %arg16[%dma_wait3A_92, %dma_wait3A_93] : memref<3x2x!tpu.dma_semaphore, #tpu.memory_space<semaphore_mem>> -> memref<1x1x!tpu.dma_semaphore, #tpu.memory_space<semaphore_mem>>
    %dma_wait3A_97 = tpu.memref_squeeze %dma_wait3A_96 : memref<1x1x!tpu.dma_semaphore, #tpu.memory_space<semaphore_mem>> -> memref<!tpu.dma_semaphore, #tpu.memory_space<semaphore_mem>>
    %dma_wait3A_98 = arith.constant 0 : i32
    %dma_wait3A_99 = tpu.memref_slice %arg2[%dma_wait3A_98, %add3A_91] : memref<2x1600000xi32, #tpu.memory_space<hbm>> -> memref<2x8320xi32, #tpu.memory_space<hbm>>
    tpu.wait_dma2 semaphore(%dma_wait3A_97 : memref<!tpu.dma_semaphore, #tpu.memory_space<semaphore_mem>>) src(%dma_wait3A_99 : memref<2x8320xi32, #tpu.memory_space<hbm>>) dst(%arg8 : memref<2x8320xi32, #tpu.memory_space<vmem>>)
    %dma_wait3A_100 = arith.constant 1 : i32
    %dma_wait3A_101 = arith.constant 1 : i32
    %dma_wait3A_102 = tpu.memref_slice %arg3[%add3A_91] : memref<1600000xf32, #tpu.memory_space<hbm>> -> memref<8320xf32, #tpu.memory_space<hbm>>
    %dma_wait3A_103 = tpu.memref_slice %arg16[%dma_wait3A_100, %dma_wait3A_101] : memref<3x2x!tpu.dma_semaphore, #tpu.memory_space<semaphore_mem>> -> memref<1x1x!tpu.dma_semaphore, #tpu.memory_space<semaphore_mem>>
    %dma_wait3A_104 = tpu.memref_squeeze %dma_wait3A_103 : memref<1x1x!tpu.dma_semaphore, #tpu.memory_space<semaphore_mem>> -> memref<!tpu.dma_semaphore, #tpu.memory_space<semaphore_mem>>
    %dma_wait3A_105 = tpu.memref_slice %arg3[%add3A_91] : memref<1600000xf32, #tpu.memory_space<hbm>> -> memref<8320xf32, #tpu.memory_space<hbm>>
    tpu.wait_dma2 semaphore(%dma_wait3A_104 : memref<!tpu.dma_semaphore, #tpu.memory_space<semaphore_mem>>) src(%dma_wait3A_105 : memref<8320xf32, #tpu.memory_space<hbm>>) dst(%arg10 : memref<8320xf32, #tpu.memory_space<vmem>>)
    %parallel_loop3A_106 = arith.constant 0 : i32
    %parallel_loop3A_107 = arith.constant 520 : i32
    %parallel_loop3A_108 = arith.constant 1 : i32
    scf.for %parallel_loop3A_323 = %parallel_loop3A_106 to %parallel_loop3A_107 step %parallel_loop3A_108  : i32 {
      %parallel_loop3A_324 = arith.constant 16 : i32
      %parallel_loop3A_325 = arith.muli %parallel_loop3A_323, %parallel_loop3A_324 : i32
      %parallel_loop3A_326 = arith.constant 0 : i32
      %parallel_loop3A_327 = arith.index_cast %parallel_loop3A_326 : i32 to index
      %parallel_loop3A_328 = arith.index_cast %parallel_loop3A_325 : i32 to index
      %parallel_loop3A_329 = tpu.vector_load %arg8[%parallel_loop3A_327, %parallel_loop3A_328] {strides = array<i32>} : memref<2x8320xi32, #tpu.memory_space<vmem>>, vector<1x16xi32>,
      %parallel_loop3A_330 = vector.shape_cast %parallel_loop3A_329 : vector<1x16xi32> to vector<16xi32>
      %parallel_loop3A_331 = arith.constant 4 : i32
      %parallel_loop3A_332 = vector.broadcast %parallel_loop3A_331 : i32 to vector<16xi32>
      %parallel_loop3A_333 = arith.muli %parallel_loop3A_330, %parallel_loop3A_332 : vector<16xi32>
      %parallel_loop3A_334 = arith.constant 1 : i32
      %parallel_loop3A_335 = arith.index_cast %parallel_loop3A_334 : i32 to index
      %parallel_loop3A_336 = arith.index_cast %parallel_loop3A_325 : i32 to index
      %parallel_loop3A_337 = tpu.vector_load %arg8[%parallel_loop3A_335, %parallel_loop3A_336] {strides = array<i32>} : memref<2x8320xi32, #tpu.memory_space<vmem>>, vector<1x16xi32>,
      %parallel_loop3A_338 = vector.shape_cast %parallel_loop3A_337 : vector<1x16xi32> to vector<16xi32>
      %parallel_loop3A_339 = arith.addi %parallel_loop3A_333, %parallel_loop3A_338 : vector<16xi32>
      %parallel_loop3A_340 = arith.index_cast %parallel_loop3A_325 : i32 to index
      %parallel_loop3A_341 = tpu.vector_load %arg10[%parallel_loop3A_340] {strides = array<i32>} : memref<8320xf32, #tpu.memory_space<vmem>>, vector<16xf32>,
      %parallel_loop3A_342 = vector.shape_cast %parallel_loop3A_341 : vector<16xf32> to vector<16xf32>
      %parallel_loop3A_343 = arith.mulf %parallel_loop3A_342, %parallel_loop3A_342 : vector<16xf32>
      %parallel_loop3A_344 = arith.mulf %parallel_loop3A_343, %parallel_loop3A_343 : vector<16xf32>
      %parallel_loop3A_345 = arith.mulf %parallel_loop3A_344, %parallel_loop3A_343 : vector<16xf32>
      %parallel_loop3A_346 = vector.shape_cast %parallel_loop3A_339 : vector<16xi32> to vector<16x1xi32>
      %parallel_loop3A_347 = vector.shape_cast %parallel_loop3A_346 : vector<16x1xi32> to vector<16xi32>
      %parallel_loop3A_348 = tpu.dynamic_gather %mul3A_17[%parallel_loop3A_347] in [0] : vector<16xf32>, vector<16xi32> -> vector<16xf32>
      %parallel_loop3A_349 = arith.addf %parallel_loop3A_345, %parallel_loop3A_348 : vector<16xf32>
      %parallel_loop3A_350 = arith.index_cast %parallel_loop3A_325 : i32 to index
      %parallel_loop3A_351 = tpu.vector_load %arg12[%parallel_loop3A_350] {strides = array<i32>} : memref<8320xf32, #tpu.memory_space<vmem>>, vector<16xf32>,
      %parallel_loop3A_352 = vector.shape_cast %parallel_loop3A_351 : vector<16xf32> to vector<16xf32>
      %parallel_loop3A_353 = vector.shape_cast %parallel_loop3A_349 : vector<16xf32> to vector<16xf32>
      tpu.vector_store %arg12[%parallel_loop3A_350], %parallel_loop3A_353 {strides = array<i32>} : memref<8320xf32, #tpu.memory_space<vmem>>, vector<16xf32>,
    } {sc.loop_unroll_factor = 8 : i64, sc.parallel_access}
    %add3A_109 = arith.constant 8320 : i32
    %add3A_110 = arith.addi %mul3A_6, %add3A_109 : i32
    %dma_start3A_111 = arith.constant 2 : i32
    %dma_start3A_112 = arith.constant 1 : i32
    %dma_start3A_113 = tpu.memref_slice %arg5[%add3A_110] : memref<1600000xf32, #tpu.memory_space<hbm>> -> memref<8320xf32, #tpu.memory_space<hbm>>
    %dma_start3A_114 = tpu.memref_slice %arg16[%dma_start3A_111, %dma_start3A_112] : memref<3x2x!tpu.dma_semaphore, #tpu.memory_space<semaphore_mem>> -> memref<1x1x!tpu.dma_semaphore, #tpu.memory_space<semaphore_mem>>
    %dma_start3A_115 = tpu.memref_squeeze %dma_start3A_114 : memref<1x1x!tpu.dma_semaphore, #tpu.memory_space<semaphore_mem>> -> memref<!tpu.dma_semaphore, #tpu.memory_space<semaphore_mem>>
    %dma_start3A_116 = tpu.memref_slice %arg5[%add3A_110] : memref<1600000xf32, #tpu.memory_space<hbm>> -> memref<8320xf32, #tpu.memory_space<hbm>>
    tpu.enqueue_dma source(%arg12 : memref<8320xf32, #tpu.memory_space<vmem>>) target(%dma_start3A_116 : memref<8320xf32, #tpu.memory_space<hbm>>) target_semaphore(%dma_start3A_115 : memref<!tpu.dma_semaphore, #tpu.memory_space<semaphore_mem>>)
    %add3A_117 = arith.constant 24960 : i32
    %add3A_118 = arith.addi %mul3A_6, %add3A_117 : i32
    %dma_start3A_119 = arith.constant 0 : i32
    %dma_start3A_120 = arith.constant 1 : i32
    %dma_start3A_121 = arith.constant 0 : i32
    %dma_start3A_122 = tpu.memref_slice %arg2[%dma_start3A_121, %add3A_118] : memref<2x1600000xi32, #tpu.memory_space<hbm>> -> memref<2x8320xi32, #tpu.memory_space<hbm>>
    %dma_start3A_123 = tpu.memref_slice %arg16[%dma_start3A_119, %dma_start3A_120] : memref<3x2x!tpu.dma_semaphore, #tpu.memory_space<semaphore_mem>> -> memref<1x1x!tpu.dma_semaphore, #tpu.memory_space<semaphore_mem>>
    %dma_start3A_124 = tpu.memref_squeeze %dma_start3A_123 : memref<1x1x!tpu.dma_semaphore, #tpu.memory_space<semaphore_mem>> -> memref<!tpu.dma_semaphore, #tpu.memory_space<semaphore_mem>>
    %dma_start3A_125 = arith.constant 0 : i32
    %dma_start3A_126 = tpu.memref_slice %arg2[%dma_start3A_125, %add3A_118] : memref<2x1600000xi32, #tpu.memory_space<hbm>> -> memref<2x8320xi32, #tpu.memory_space<hbm>>
    tpu.enqueue_dma source(%dma_start3A_126 : memref<2x8320xi32, #tpu.memory_space<hbm>>) target(%arg8 : memref<2x8320xi32, #tpu.memory_space<vmem>>) target_semaphore(%dma_start3A_124 : memref<!tpu.dma_semaphore, #tpu.memory_space<semaphore_mem>>)
    %dma_start3A_127 = arith.constant 1 : i32
    %dma_start3A_128 = arith.constant 1 : i32
    %dma_start3A_129 = tpu.memref_slice %arg3[%add3A_118] : memref<1600000xf32, #tpu.memory_space<hbm>> -> memref<8320xf32, #tpu.memory_space<hbm>>
    %dma_start3A_130 = tpu.memref_slice %arg16[%dma_start3A_127, %dma_start3A_128] : memref<3x2x!tpu.dma_semaphore, #tpu.memory_space<semaphore_mem>> -> memref<1x1x!tpu.dma_semaphore, #tpu.memory_space<semaphore_mem>>
    %dma_start3A_131 = tpu.memref_squeeze %dma_start3A_130 : memref<1x1x!tpu.dma_semaphore, #tpu.memory_space<semaphore_mem>> -> memref<!tpu.dma_semaphore, #tpu.memory_space<semaphore_mem>>
    %dma_start3A_132 = tpu.memref_slice %arg3[%add3A_118] : memref<1600000xf32, #tpu.memory_space<hbm>> -> memref<8320xf32, #tpu.memory_space<hbm>>
    tpu.enqueue_dma source(%dma_start3A_132 : memref<8320xf32, #tpu.memory_space<hbm>>) target(%arg10 : memref<8320xf32, #tpu.memory_space<vmem>>) target_semaphore(%dma_start3A_131 : memref<!tpu.dma_semaphore, #tpu.memory_space<semaphore_mem>>)
    %add3A_133 = arith.constant 16640 : i32
    %add3A_134 = arith.addi %mul3A_6, %add3A_133 : i32
    %dma_wait3A_135 = arith.constant 0 : i32
    %dma_wait3A_136 = arith.constant 0 : i32
    %dma_wait3A_137 = arith.constant 0 : i32
    %dma_wait3A_138 = tpu.memref_slice %arg2[%dma_wait3A_137, %add3A_134] : memref<2x1600000xi32, #tpu.memory_space<hbm>> -> memref<2x8320xi32, #tpu.memory_space<hbm>>
    %dma_wait3A_139 = tpu.memref_slice %arg16[%dma_wait3A_135, %dma_wait3A_136] : memref<3x2x!tpu.dma_semaphore, #tpu.memory_space<semaphore_mem>> -> memref<1x1x!tpu.dma_semaphore, #tpu.memory_space<semaphore_mem>>
    %dma_wait3A_140 = tpu.memref_squeeze %dma_wait3A_139 : memref<1x1x!tpu.dma_semaphore, #tpu.memory_space<semaphore_mem>> -> memref<!tpu.dma_semaphore, #tpu.memory_space<semaphore_mem>>
    %dma_wait3A_141 = arith.constant 0 : i32
    %dma_wait3A_142 = tpu.memref_slice %arg2[%dma_wait3A_141, %add3A_134] : memref<2x1600000xi32, #tpu.memory_space<hbm>> -> memref<2x8320xi32, #tpu.memory_space<hbm>>
    tpu.wait_dma2 semaphore(%dma_wait3A_140 : memref<!tpu.dma_semaphore, #tpu.memory_space<semaphore_mem>>) src(%dma_wait3A_142 : memref<2x8320xi32, #tpu.memory_space<hbm>>) dst(%arg7 : memref<2x8320xi32, #tpu.memory_space<vmem>>)
    %dma_wait3A_143 = arith.constant 1 : i32
    %dma_wait3A_144 = arith.constant 0 : i32
    %dma_wait3A_145 = tpu.memref_slice %arg3[%add3A_134] : memref<1600000xf32, #tpu.memory_space<hbm>> -> memref<8320xf32, #tpu.memory_space<hbm>>
    %dma_wait3A_146 = tpu.memref_slice %arg16[%dma_wait3A_143, %dma_wait3A_144] : memref<3x2x!tpu.dma_semaphore, #tpu.memory_space<semaphore_mem>> -> memref<1x1x!tpu.dma_semaphore, #tpu.memory_space<semaphore_mem>>
    %dma_wait3A_147 = tpu.memref_squeeze %dma_wait3A_146 : memref<1x1x!tpu.dma_semaphore, #tpu.memory_space<semaphore_mem>> -> memref<!tpu.dma_semaphore, #tpu.memory_space<semaphore_mem>>
    %dma_wait3A_148 = tpu.memref_slice %arg3[%add3A_134] : memref<1600000xf32, #tpu.memory_space<hbm>> -> memref<8320xf32, #tpu.memory_space<hbm>>
    tpu.wait_dma2 semaphore(%dma_wait3A_147 : memref<!tpu.dma_semaphore, #tpu.memory_space<semaphore_mem>>) src(%dma_wait3A_148 : memref<8320xf32, #tpu.memory_space<hbm>>) dst(%arg9 : memref<8320xf32, #tpu.memory_space<vmem>>)
    %add3A_149 = arith.constant 0 : i32
    %add3A_150 = arith.addi %mul3A_6, %add3A_149 : i32
    %dma_wait3A_151 = arith.constant 2 : i32
    %dma_wait3A_152 = arith.constant 0 : i32
    %dma_wait3A_153 = tpu.memref_slice %arg5[%add3A_150] : memref<1600000xf32, #tpu.memory_space<hbm>> -> memref<8320xf32, #tpu.memory_space<hbm>>
    %dma_wait3A_154 = tpu.memref_slice %arg16[%dma_wait3A_151, %dma_wait3A_152] : memref<3x2x!tpu.dma_semaphore, #tpu.memory_space<semaphore_mem>> -> memref<1x1x!tpu.dma_semaphore, #tpu.memory_space<semaphore_mem>>
    %dma_wait3A_155 = tpu.memref_squeeze %dma_wait3A_154 : memref<1x1x!tpu.dma_semaphore, #tpu.memory_space<semaphore_mem>> -> memref<!tpu.dma_semaphore, #tpu.memory_space<semaphore_mem>>
    %dma_wait3A_156 = tpu.memref_slice %arg5[%add3A_150] : memref<1600000xf32, #tpu.memory_space<hbm>> -> memref<8320xf32, #tpu.memory_space<hbm>>
    tpu.wait_dma2 semaphore(%dma_wait3A_155 : memref<!tpu.dma_semaphore, #tpu.memory_space<semaphore_mem>>) src(%arg11 : memref<8320xf32, #tpu.memory_space<vmem>>) dst(%dma_wait3A_156 : memref<8320xf32, #tpu.memory_space<hbm>>)
    %parallel_loop3A_157 = arith.constant 0 : i32
    %parallel_loop3A_158 = arith.constant 520 : i32
    %parallel_loop3A_159 = arith.constant 1 : i32
    scf.for %parallel_loop3A_323 = %parallel_loop3A_157 to %parallel_loop3A_158 step %parallel_loop3A_159  : i32 {
      %parallel_loop3A_324 = arith.constant 16 : i32
      %parallel_loop3A_325 = arith.muli %parallel_loop3A_323, %parallel_loop3A_324 : i32
      %parallel_loop3A_326 = arith.constant 0 : i32
      %parallel_loop3A_327 = arith.index_cast %parallel_loop3A_326 : i32 to index
      %parallel_loop3A_328 = arith.index_cast %parallel_loop3A_325 : i32 to index
      %parallel_loop3A_329 = tpu.vector_load %arg7[%parallel_loop3A_327, %parallel_loop3A_328] {strides = array<i32>} : memref<2x8320xi32, #tpu.memory_space<vmem>>, vector<1x16xi32>,
      %parallel_loop3A_330 = vector.shape_cast %parallel_loop3A_329 : vector<1x16xi32> to vector<16xi32>
      %parallel_loop3A_331 = arith.constant 4 : i32
      %parallel_loop3A_332 = vector.broadcast %parallel_loop3A_331 : i32 to vector<16xi32>
      %parallel_loop3A_333 = arith.muli %parallel_loop3A_330, %parallel_loop3A_332 : vector<16xi32>
      %parallel_loop3A_334 = arith.constant 1 : i32
      %parallel_loop3A_335 = arith.index_cast %parallel_loop3A_334 : i32 to index
      %parallel_loop3A_336 = arith.index_cast %parallel_loop3A_325 : i32 to index
      %parallel_loop3A_337 = tpu.vector_load %arg7[%parallel_loop3A_335, %parallel_loop3A_336] {strides = array<i32>} : memref<2x8320xi32, #tpu.memory_space<vmem>>, vector<1x16xi32>,
      %parallel_loop3A_338 = vector.shape_cast %parallel_loop3A_337 : vector<1x16xi32> to vector<16xi32>
      %parallel_loop3A_339 = arith.addi %parallel_loop3A_333, %parallel_loop3A_338 : vector<16xi32>
      %parallel_loop3A_340 = arith.index_cast %parallel_loop3A_325 : i32 to index
      %parallel_loop3A_341 = tpu.vector_load %arg9[%parallel_loop3A_340] {strides = array<i32>} : memref<8320xf32, #tpu.memory_space<vmem>>, vector<16xf32>,
      %parallel_loop3A_342 = vector.shape_cast %parallel_loop3A_341 : vector<16xf32> to vector<16xf32>
      %parallel_loop3A_343 = arith.mulf %parallel_loop3A_342, %parallel_loop3A_342 : vector<16xf32>
      %parallel_loop3A_344 = arith.mulf %parallel_loop3A_343, %parallel_loop3A_343 : vector<16xf32>
      %parallel_loop3A_345 = arith.mulf %parallel_loop3A_344, %parallel_loop3A_343 : vector<16xf32>
      %parallel_loop3A_346 = vector.shape_cast %parallel_loop3A_339 : vector<16xi32> to vector<16x1xi32>
      %parallel_loop3A_347 = vector.shape_cast %parallel_loop3A_346 : vector<16x1xi32> to vector<16xi32>
      %parallel_loop3A_348 = tpu.dynamic_gather %mul3A_17[%parallel_loop3A_347] in [0] : vector<16xf32>, vector<16xi32> -> vector<16xf32>
      %parallel_loop3A_349 = arith.addf %parallel_loop3A_345, %parallel_loop3A_348 : vector<16xf32>
      %parallel_loop3A_350 = arith.index_cast %parallel_loop3A_325 : i32 to index
      %parallel_loop3A_351 = tpu.vector_load %arg11[%parallel_loop3A_350] {strides = array<i32>} : memref<8320xf32, #tpu.memory_space<vmem>>, vector<16xf32>,
      %parallel_loop3A_352 = vector.shape_cast %parallel_loop3A_351 : vector<16xf32> to vector<16xf32>
      %parallel_loop3A_353 = vector.shape_cast %parallel_loop3A_349 : vector<16xf32> to vector<16xf32>
      tpu.vector_store %arg11[%parallel_loop3A_350], %parallel_loop3A_353 {strides = array<i32>} : memref<8320xf32, #tpu.memory_space<vmem>>, vector<16xf32>,
    } {sc.loop_unroll_factor = 8 : i64, sc.parallel_access}
    %add3A_160 = arith.constant 16640 : i32
    %add3A_161 = arith.addi %mul3A_6, %add3A_160 : i32
    %dma_start3A_162 = arith.constant 2 : i32
    %dma_start3A_163 = arith.constant 0 : i32
    %dma_start3A_164 = tpu.memref_slice %arg5[%add3A_161] : memref<1600000xf32, #tpu.memory_space<hbm>> -> memref<8320xf32, #tpu.memory_space<hbm>>
    %dma_start3A_165 = tpu.memref_slice %arg16[%dma_start3A_162, %dma_start3A_163] : memref<3x2x!tpu.dma_semaphore, #tpu.memory_space<semaphore_mem>> -> memref<1x1x!tpu.dma_semaphore, #tpu.memory_space<semaphore_mem>>
    %dma_start3A_166 = tpu.memref_squeeze %dma_start3A_165 : memref<1x1x!tpu.dma_semaphore, #tpu.memory_space<semaphore_mem>> -> memref<!tpu.dma_semaphore, #tpu.memory_space<semaphore_mem>>
    %dma_start3A_167 = tpu.memref_slice %arg5[%add3A_161] : memref<1600000xf32, #tpu.memory_space<hbm>> -> memref<8320xf32, #tpu.memory_space<hbm>>
    tpu.enqueue_dma source(%arg11 : memref<8320xf32, #tpu.memory_space<vmem>>) target(%dma_start3A_167 : memref<8320xf32, #tpu.memory_space<hbm>>) target_semaphore(%dma_start3A_166 : memref<!tpu.dma_semaphore, #tpu.memory_space<semaphore_mem>>)
    %add3A_168 = arith.constant 33280 : i32
    %add3A_169 = arith.addi %mul3A_6, %add3A_168 : i32
    %dma_start3A_170 = arith.constant 0 : i32
    %dma_start3A_171 = arith.constant 0 : i32
    %dma_start3A_172 = arith.constant 0 : i32
    %dma_start3A_173 = tpu.memref_slice %arg2[%dma_start3A_172, %add3A_169] : memref<2x1600000xi32, #tpu.memory_space<hbm>> -> memref<2x8320xi32, #tpu.memory_space<hbm>>
    %dma_start3A_174 = tpu.memref_slice %arg16[%dma_start3A_170, %dma_start3A_171] : memref<3x2x!tpu.dma_semaphore, #tpu.memory_space<semaphore_mem>> -> memref<1x1x!tpu.dma_semaphore, #tpu.memory_space<semaphore_mem>>
    %dma_start3A_175 = tpu.memref_squeeze %dma_start3A_174 : memref<1x1x!tpu.dma_semaphore, #tpu.memory_space<semaphore_mem>> -> memref<!tpu.dma_semaphore, #tpu.memory_space<semaphore_mem>>
    %dma_start3A_176 = arith.constant 0 : i32
    %dma_start3A_177 = tpu.memref_slice %arg2[%dma_start3A_176, %add3A_169] : memref<2x1600000xi32, #tpu.memory_space<hbm>> -> memref<2x8320xi32, #tpu.memory_space<hbm>>
    tpu.enqueue_dma source(%dma_start3A_177 : memref<2x8320xi32, #tpu.memory_space<hbm>>) target(%arg7 : memref<2x8320xi32, #tpu.memory_space<vmem>>) target_semaphore(%dma_start3A_175 : memref<!tpu.dma_semaphore, #tpu.memory_space<semaphore_mem>>)
    %dma_start3A_178 = arith.constant 1 : i32
    %dma_start3A_179 = arith.constant 0 : i32
    %dma_start3A_180 = tpu.memref_slice %arg3[%add3A_169] : memref<1600000xf32, #tpu.memory_space<hbm>> -> memref<8320xf32, #tpu.memory_space<hbm>>
    %dma_start3A_181 = tpu.memref_slice %arg16[%dma_start3A_178, %dma_start3A_179] : memref<3x2x!tpu.dma_semaphore, #tpu.memory_space<semaphore_mem>> -> memref<1x1x!tpu.dma_semaphore, #tpu.memory_space<semaphore_mem>>
    %dma_start3A_182 = tpu.memref_squeeze %dma_start3A_181 : memref<1x1x!tpu.dma_semaphore, #tpu.memory_space<semaphore_mem>> -> memref<!tpu.dma_semaphore, #tpu.memory_space<semaphore_mem>>
    %dma_start3A_183 = tpu.memref_slice %arg3[%add3A_169] : memref<1600000xf32, #tpu.memory_space<hbm>> -> memref<8320xf32, #tpu.memory_space<hbm>>
    tpu.enqueue_dma source(%dma_start3A_183 : memref<8320xf32, #tpu.memory_space<hbm>>) target(%arg9 : memref<8320xf32, #tpu.memory_space<vmem>>) target_semaphore(%dma_start3A_182 : memref<!tpu.dma_semaphore, #tpu.memory_space<semaphore_mem>>)
    %add3A_184 = arith.constant 24960 : i32
    %add3A_185 = arith.addi %mul3A_6, %add3A_184 : i32
    %dma_wait3A_186 = arith.constant 0 : i32
    %dma_wait3A_187 = arith.constant 1 : i32
    %dma_wait3A_188 = arith.constant 0 : i32
    %dma_wait3A_189 = tpu.memref_slice %arg2[%dma_wait3A_188, %add3A_185] : memref<2x1600000xi32, #tpu.memory_space<hbm>> -> memref<2x8320xi32, #tpu.memory_space<hbm>>
    %dma_wait3A_190 = tpu.memref_slice %arg16[%dma_wait3A_186, %dma_wait3A_187] : memref<3x2x!tpu.dma_semaphore, #tpu.memory_space<semaphore_mem>> -> memref<1x1x!tpu.dma_semaphore, #tpu.memory_space<semaphore_mem>>
    %dma_wait3A_191 = tpu.memref_squeeze %dma_wait3A_190 : memref<1x1x!tpu.dma_semaphore, #tpu.memory_space<semaphore_mem>> -> memref<!tpu.dma_semaphore, #tpu.memory_space<semaphore_mem>>
    %dma_wait3A_192 = arith.constant 0 : i32
    %dma_wait3A_193 = tpu.memref_slice %arg2[%dma_wait3A_192, %add3A_185] : memref<2x1600000xi32, #tpu.memory_space<hbm>> -> memref<2x8320xi32, #tpu.memory_space<hbm>>
    tpu.wait_dma2 semaphore(%dma_wait3A_191 : memref<!tpu.dma_semaphore, #tpu.memory_space<semaphore_mem>>) src(%dma_wait3A_193 : memref<2x8320xi32, #tpu.memory_space<hbm>>) dst(%arg8 : memref<2x8320xi32, #tpu.memory_space<vmem>>)
    %dma_wait3A_194 = arith.constant 1 : i32
    %dma_wait3A_195 = arith.constant 1 : i32
    %dma_wait3A_196 = tpu.memref_slice %arg3[%add3A_185] : memref<1600000xf32, #tpu.memory_space<hbm>> -> memref<8320xf32, #tpu.memory_space<hbm>>
    %dma_wait3A_197 = tpu.memref_slice %arg16[%dma_wait3A_194, %dma_wait3A_195] : memref<3x2x!tpu.dma_semaphore, #tpu.memory_space<semaphore_mem>> -> memref<1x1x!tpu.dma_semaphore, #tpu.memory_space<semaphore_mem>>
    %dma_wait3A_198 = tpu.memref_squeeze %dma_wait3A_197 : memref<1x1x!tpu.dma_semaphore, #tpu.memory_space<semaphore_mem>> -> memref<!tpu.dma_semaphore, #tpu.memory_space<semaphore_mem>>
    %dma_wait3A_199 = tpu.memref_slice %arg3[%add3A_185] : memref<1600000xf32, #tpu.memory_space<hbm>> -> memref<8320xf32, #tpu.memory_space<hbm>>
    tpu.wait_dma2 semaphore(%dma_wait3A_198 : memref<!tpu.dma_semaphore, #tpu.memory_space<semaphore_mem>>) src(%dma_wait3A_199 : memref<8320xf32, #tpu.memory_space<hbm>>) dst(%arg10 : memref<8320xf32, #tpu.memory_space<vmem>>)
    %add3A_200 = arith.constant 8320 : i32
    %add3A_201 = arith.addi %mul3A_6, %add3A_200 : i32
    %dma_wait3A_202 = arith.constant 2 : i32
    %dma_wait3A_203 = arith.constant 1 : i32
    %dma_wait3A_204 = tpu.memref_slice %arg5[%add3A_201] : memref<1600000xf32, #tpu.memory_space<hbm>> -> memref<8320xf32, #tpu.memory_space<hbm>>
    %dma_wait3A_205 = tpu.memref_slice %arg16[%dma_wait3A_202, %dma_wait3A_203] : memref<3x2x!tpu.dma_semaphore, #tpu.memory_space<semaphore_mem>> -> memref<1x1x!tpu.dma_semaphore, #tpu.memory_space<semaphore_mem>>
    %dma_wait3A_206 = tpu.memref_squeeze %dma_wait3A_205 : memref<1x1x!tpu.dma_semaphore, #tpu.memory_space<semaphore_mem>> -> memref<!tpu.dma_semaphore, #tpu.memory_space<semaphore_mem>>
    %dma_wait3A_207 = tpu.memref_slice %arg5[%add3A_201] : memref<1600000xf32, #tpu.memory_space<hbm>> -> memref<8320xf32, #tpu.memory_space<hbm>>
    tpu.wait_dma2 semaphore(%dma_wait3A_206 : memref<!tpu.dma_semaphore, #tpu.memory_space<semaphore_mem>>) src(%arg12 : memref<8320xf32, #tpu.memory_space<vmem>>) dst(%dma_wait3A_207 : memref<8320xf32, #tpu.memory_space<hbm>>)
    %parallel_loop3A_208 = arith.constant 0 : i32
    %parallel_loop3A_209 = arith.constant 520 : i32
    %parallel_loop3A_210 = arith.constant 1 : i32
    scf.for %parallel_loop3A_323 = %parallel_loop3A_208 to %parallel_loop3A_209 step %parallel_loop3A_210  : i32 {
      %parallel_loop3A_324 = arith.constant 16 : i32
      %parallel_loop3A_325 = arith.muli %parallel_loop3A_323, %parallel_loop3A_324 : i32
      %parallel_loop3A_326 = arith.constant 0 : i32
      %parallel_loop3A_327 = arith.index_cast %parallel_loop3A_326 : i32 to index
      %parallel_loop3A_328 = arith.index_cast %parallel_loop3A_325 : i32 to index
      %parallel_loop3A_329 = tpu.vector_load %arg8[%parallel_loop3A_327, %parallel_loop3A_328] {strides = array<i32>} : memref<2x8320xi32, #tpu.memory_space<vmem>>, vector<1x16xi32>,
      %parallel_loop3A_330 = vector.shape_cast %parallel_loop3A_329 : vector<1x16xi32> to vector<16xi32>
      %parallel_loop3A_331 = arith.constant 4 : i32
      %parallel_loop3A_332 = vector.broadcast %parallel_loop3A_331 : i32 to vector<16xi32>
      %parallel_loop3A_333 = arith.muli %parallel_loop3A_330, %parallel_loop3A_332 : vector<16xi32>
      %parallel_loop3A_334 = arith.constant 1 : i32
      %parallel_loop3A_335 = arith.index_cast %parallel_loop3A_334 : i32 to index
      %parallel_loop3A_336 = arith.index_cast %parallel_loop3A_325 : i32 to index
      %parallel_loop3A_337 = tpu.vector_load %arg8[%parallel_loop3A_335, %parallel_loop3A_336] {strides = array<i32>} : memref<2x8320xi32, #tpu.memory_space<vmem>>, vector<1x16xi32>,
      %parallel_loop3A_338 = vector.shape_cast %parallel_loop3A_337 : vector<1x16xi32> to vector<16xi32>
      %parallel_loop3A_339 = arith.addi %parallel_loop3A_333, %parallel_loop3A_338 : vector<16xi32>
      %parallel_loop3A_340 = arith.index_cast %parallel_loop3A_325 : i32 to index
      %parallel_loop3A_341 = tpu.vector_load %arg10[%parallel_loop3A_340] {strides = array<i32>} : memref<8320xf32, #tpu.memory_space<vmem>>, vector<16xf32>,
      %parallel_loop3A_342 = vector.shape_cast %parallel_loop3A_341 : vector<16xf32> to vector<16xf32>
      %parallel_loop3A_343 = arith.mulf %parallel_loop3A_342, %parallel_loop3A_342 : vector<16xf32>
      %parallel_loop3A_344 = arith.mulf %parallel_loop3A_343, %parallel_loop3A_343 : vector<16xf32>
      %parallel_loop3A_345 = arith.mulf %parallel_loop3A_344, %parallel_loop3A_343 : vector<16xf32>
      %parallel_loop3A_346 = vector.shape_cast %parallel_loop3A_339 : vector<16xi32> to vector<16x1xi32>
      %parallel_loop3A_347 = vector.shape_cast %parallel_loop3A_346 : vector<16x1xi32> to vector<16xi32>
      %parallel_loop3A_348 = tpu.dynamic_gather %mul3A_17[%parallel_loop3A_347] in [0] : vector<16xf32>, vector<16xi32> -> vector<16xf32>
      %parallel_loop3A_349 = arith.addf %parallel_loop3A_345, %parallel_loop3A_348 : vector<16xf32>
      %parallel_loop3A_350 = arith.index_cast %parallel_loop3A_325 : i32 to index
      %parallel_loop3A_351 = tpu.vector_load %arg12[%parallel_loop3A_350] {strides = array<i32>} : memref<8320xf32, #tpu.memory_space<vmem>>, vector<16xf32>,
      %parallel_loop3A_352 = vector.shape_cast %parallel_loop3A_351 : vector<16xf32> to vector<16xf32>
      %parallel_loop3A_353 = vector.shape_cast %parallel_loop3A_349 : vector<16xf32> to vector<16xf32>
      tpu.vector_store %arg12[%parallel_loop3A_350], %parallel_loop3A_353 {strides = array<i32>} : memref<8320xf32, #tpu.memory_space<vmem>>, vector<16xf32>,
    } {sc.loop_unroll_factor = 8 : i64, sc.parallel_access}
    %add3A_211 = arith.constant 24960 : i32
    %add3A_212 = arith.addi %mul3A_6, %add3A_211 : i32
    %dma_start3A_213 = arith.constant 2 : i32
    %dma_start3A_214 = arith.constant 1 : i32
    %dma_start3A_215 = tpu.memref_slice %arg5[%add3A_212] : memref<1600000xf32, #tpu.memory_space<hbm>> -> memref<8320xf32, #tpu.memory_space<hbm>>
    %dma_start3A_216 = tpu.memref_slice %arg16[%dma_start3A_213, %dma_start3A_214] : memref<3x2x!tpu.dma_semaphore, #tpu.memory_space<semaphore_mem>> -> memref<1x1x!tpu.dma_semaphore, #tpu.memory_space<semaphore_mem>>
    %dma_start3A_217 = tpu.memref_squeeze %dma_start3A_216 : memref<1x1x!tpu.dma_semaphore, #tpu.memory_space<semaphore_mem>> -> memref<!tpu.dma_semaphore, #tpu.memory_space<semaphore_mem>>
    %dma_start3A_218 = tpu.memref_slice %arg5[%add3A_212] : memref<1600000xf32, #tpu.memory_space<hbm>> -> memref<8320xf32, #tpu.memory_space<hbm>>
    tpu.enqueue_dma source(%arg12 : memref<8320xf32, #tpu.memory_space<vmem>>) target(%dma_start3A_218 : memref<8320xf32, #tpu.memory_space<hbm>>) target_semaphore(%dma_start3A_217 : memref<!tpu.dma_semaphore, #tpu.memory_space<semaphore_mem>>)
    %add3A_219 = arith.constant 41600 : i32
    %add3A_220 = arith.addi %mul3A_6, %add3A_219 : i32
    %dma_start3A_221 = arith.constant 0 : i32
    %dma_start3A_222 = arith.constant 1 : i32
    %dma_start3A_223 = arith.constant 0 : i32
    %dma_start3A_224 = tpu.memref_slice %arg2[%dma_start3A_223, %add3A_220] : memref<2x1600000xi32, #tpu.memory_space<hbm>> -> memref<2x8320xi32, #tpu.memory_space<hbm>>
    %dma_start3A_225 = tpu.memref_slice %arg16[%dma_start3A_221, %dma_start3A_222] : memref<3x2x!tpu.dma_semaphore, #tpu.memory_space<semaphore_mem>> -> memref<1x1x!tpu.dma_semaphore, #tpu.memory_space<semaphore_mem>>
    %dma_start3A_226 = tpu.memref_squeeze %dma_start3A_225 : memref<1x1x!tpu.dma_semaphore, #tpu.memory_space<semaphore_mem>> -> memref<!tpu.dma_semaphore, #tpu.memory_space<semaphore_mem>>
    %dma_start3A_227 = arith.constant 0 : i32
    %dma_start3A_228 = tpu.memref_slice %arg2[%dma_start3A_227, %add3A_220] : memref<2x1600000xi32, #tpu.memory_space<hbm>> -> memref<2x8320xi32, #tpu.memory_space<hbm>>
    tpu.enqueue_dma source(%dma_start3A_228 : memref<2x8320xi32, #tpu.memory_space<hbm>>) target(%arg8 : memref<2x8320xi32, #tpu.memory_space<vmem>>) target_semaphore(%dma_start3A_226 : memref<!tpu.dma_semaphore, #tpu.memory_space<semaphore_mem>>)
    %dma_start3A_229 = arith.constant 1 : i32
    %dma_start3A_230 = arith.constant 1 : i32
    %dma_start3A_231 = tpu.memref_slice %arg3[%add3A_220] : memref<1600000xf32, #tpu.memory_space<hbm>> -> memref<8320xf32, #tpu.memory_space<hbm>>
    %dma_start3A_232 = tpu.memref_slice %arg16[%dma_start3A_229, %dma_start3A_230] : memref<3x2x!tpu.dma_semaphore, #tpu.memory_space<semaphore_mem>> -> memref<1x1x!tpu.dma_semaphore, #tpu.memory_space<semaphore_mem>>
    %dma_start3A_233 = tpu.memref_squeeze %dma_start3A_232 : memref<1x1x!tpu.dma_semaphore, #tpu.memory_space<semaphore_mem>> -> memref<!tpu.dma_semaphore, #tpu.memory_space<semaphore_mem>>
    %dma_start3A_234 = tpu.memref_slice %arg3[%add3A_220] : memref<1600000xf32, #tpu.memory_space<hbm>> -> memref<8320xf32, #tpu.memory_space<hbm>>
    tpu.enqueue_dma source(%dma_start3A_234 : memref<8320xf32, #tpu.memory_space<hbm>>) target(%arg10 : memref<8320xf32, #tpu.memory_space<vmem>>) target_semaphore(%dma_start3A_233 : memref<!tpu.dma_semaphore, #tpu.memory_space<semaphore_mem>>)
    %add3A_235 = arith.constant 33280 : i32
    %add3A_236 = arith.addi %mul3A_6, %add3A_235 : i32
    %dma_wait3A_237 = arith.constant 0 : i32
    %dma_wait3A_238 = arith.constant 0 : i32
    %dma_wait3A_239 = arith.constant 0 : i32
    %dma_wait3A_240 = tpu.memref_slice %arg2[%dma_wait3A_239, %add3A_236] : memref<2x1600000xi32, #tpu.memory_space<hbm>> -> memref<2x8320xi32, #tpu.memory_space<hbm>>
    %dma_wait3A_241 = tpu.memref_slice %arg16[%dma_wait3A_237, %dma_wait3A_238] : memref<3x2x!tpu.dma_semaphore, #tpu.memory_space<semaphore_mem>> -> memref<1x1x!tpu.dma_semaphore, #tpu.memory_space<semaphore_mem>>
    %dma_wait3A_242 = tpu.memref_squeeze %dma_wait3A_241 : memref<1x1x!tpu.dma_semaphore, #tpu.memory_space<semaphore_mem>> -> memref<!tpu.dma_semaphore, #tpu.memory_space<semaphore_mem>>
    %dma_wait3A_243 = arith.constant 0 : i32
    %dma_wait3A_244 = tpu.memref_slice %arg2[%dma_wait3A_243, %add3A_236] : memref<2x1600000xi32, #tpu.memory_space<hbm>> -> memref<2x8320xi32, #tpu.memory_space<hbm>>
    tpu.wait_dma2 semaphore(%dma_wait3A_242 : memref<!tpu.dma_semaphore, #tpu.memory_space<semaphore_mem>>) src(%dma_wait3A_244 : memref<2x8320xi32, #tpu.memory_space<hbm>>) dst(%arg7 : memref<2x8320xi32, #tpu.memory_space<vmem>>)
    %dma_wait3A_245 = arith.constant 1 : i32
    %dma_wait3A_246 = arith.constant 0 : i32
    %dma_wait3A_247 = tpu.memref_slice %arg3[%add3A_236] : memref<1600000xf32, #tpu.memory_space<hbm>> -> memref<8320xf32, #tpu.memory_space<hbm>>
    %dma_wait3A_248 = tpu.memref_slice %arg16[%dma_wait3A_245, %dma_wait3A_246] : memref<3x2x!tpu.dma_semaphore, #tpu.memory_space<semaphore_mem>> -> memref<1x1x!tpu.dma_semaphore, #tpu.memory_space<semaphore_mem>>
    %dma_wait3A_249 = tpu.memref_squeeze %dma_wait3A_248 : memref<1x1x!tpu.dma_semaphore, #tpu.memory_space<semaphore_mem>> -> memref<!tpu.dma_semaphore, #tpu.memory_space<semaphore_mem>>
    %dma_wait3A_250 = tpu.memref_slice %arg3[%add3A_236] : memref<1600000xf32, #tpu.memory_space<hbm>> -> memref<8320xf32, #tpu.memory_space<hbm>>
    tpu.wait_dma2 semaphore(%dma_wait3A_249 : memref<!tpu.dma_semaphore, #tpu.memory_space<semaphore_mem>>) src(%dma_wait3A_250 : memref<8320xf32, #tpu.memory_space<hbm>>) dst(%arg9 : memref<8320xf32, #tpu.memory_space<vmem>>)
    %add3A_251 = arith.constant 16640 : i32
    %add3A_252 = arith.addi %mul3A_6, %add3A_251 : i32
    %dma_wait3A_253 = arith.constant 2 : i32
    %dma_wait3A_254 = arith.constant 0 : i32
    %dma_wait3A_255 = tpu.memref_slice %arg5[%add3A_252] : memref<1600000xf32, #tpu.memory_space<hbm>> -> memref<8320xf32, #tpu.memory_space<hbm>>
    %dma_wait3A_256 = tpu.memref_slice %arg16[%dma_wait3A_253, %dma_wait3A_254] : memref<3x2x!tpu.dma_semaphore, #tpu.memory_space<semaphore_mem>> -> memref<1x1x!tpu.dma_semaphore, #tpu.memory_space<semaphore_mem>>
    %dma_wait3A_257 = tpu.memref_squeeze %dma_wait3A_256 : memref<1x1x!tpu.dma_semaphore, #tpu.memory_space<semaphore_mem>> -> memref<!tpu.dma_semaphore, #tpu.memory_space<semaphore_mem>>
    %dma_wait3A_258 = tpu.memref_slice %arg5[%add3A_252] : memref<1600000xf32, #tpu.memory_space<hbm>> -> memref<8320xf32, #tpu.memory_space<hbm>>
    tpu.wait_dma2 semaphore(%dma_wait3A_257 : memref<!tpu.dma_semaphore, #tpu.memory_space<semaphore_mem>>) src(%arg11 : memref<8320xf32, #tpu.memory_space<vmem>>) dst(%dma_wait3A_258 : memref<8320xf32, #tpu.memory_space<hbm>>)
    %parallel_loop3A_259 = arith.constant 0 : i32
    %parallel_loop3A_260 = arith.constant 520 : i32
    %parallel_loop3A_261 = arith.constant 1 : i32
    scf.for %parallel_loop3A_323 = %parallel_loop3A_259 to %parallel_loop3A_260 step %parallel_loop3A_261  : i32 {
      %parallel_loop3A_324 = arith.constant 16 : i32
      %parallel_loop3A_325 = arith.muli %parallel_loop3A_323, %parallel_loop3A_324 : i32
      %parallel_loop3A_326 = arith.constant 0 : i32
      %parallel_loop3A_327 = arith.index_cast %parallel_loop3A_326 : i32 to index
      %parallel_loop3A_328 = arith.index_cast %parallel_loop3A_325 : i32 to index
      %parallel_loop3A_329 = tpu.vector_load %arg7[%parallel_loop3A_327, %parallel_loop3A_328] {strides = array<i32>} : memref<2x8320xi32, #tpu.memory_space<vmem>>, vector<1x16xi32>,
      %parallel_loop3A_330 = vector.shape_cast %parallel_loop3A_329 : vector<1x16xi32> to vector<16xi32>
      %parallel_loop3A_331 = arith.constant 4 : i32
      %parallel_loop3A_332 = vector.broadcast %parallel_loop3A_331 : i32 to vector<16xi32>
      %parallel_loop3A_333 = arith.muli %parallel_loop3A_330, %parallel_loop3A_332 : vector<16xi32>
      %parallel_loop3A_334 = arith.constant 1 : i32
      %parallel_loop3A_335 = arith.index_cast %parallel_loop3A_334 : i32 to index
      %parallel_loop3A_336 = arith.index_cast %parallel_loop3A_325 : i32 to index
      %parallel_loop3A_337 = tpu.vector_load %arg7[%parallel_loop3A_335, %parallel_loop3A_336] {strides = array<i32>} : memref<2x8320xi32, #tpu.memory_space<vmem>>, vector<1x16xi32>,
      %parallel_loop3A_338 = vector.shape_cast %parallel_loop3A_337 : vector<1x16xi32> to vector<16xi32>
      %parallel_loop3A_339 = arith.addi %parallel_loop3A_333, %parallel_loop3A_338 : vector<16xi32>
      %parallel_loop3A_340 = arith.index_cast %parallel_loop3A_325 : i32 to index
      %parallel_loop3A_341 = tpu.vector_load %arg9[%parallel_loop3A_340] {strides = array<i32>} : memref<8320xf32, #tpu.memory_space<vmem>>, vector<16xf32>,
      %parallel_loop3A_342 = vector.shape_cast %parallel_loop3A_341 : vector<16xf32> to vector<16xf32>
      %parallel_loop3A_343 = arith.mulf %parallel_loop3A_342, %parallel_loop3A_342 : vector<16xf32>
      %parallel_loop3A_344 = arith.mulf %parallel_loop3A_343, %parallel_loop3A_343 : vector<16xf32>
      %parallel_loop3A_345 = arith.mulf %parallel_loop3A_344, %parallel_loop3A_343 : vector<16xf32>
      %parallel_loop3A_346 = vector.shape_cast %parallel_loop3A_339 : vector<16xi32> to vector<16x1xi32>
      %parallel_loop3A_347 = vector.shape_cast %parallel_loop3A_346 : vector<16x1xi32> to vector<16xi32>
      %parallel_loop3A_348 = tpu.dynamic_gather %mul3A_17[%parallel_loop3A_347] in [0] : vector<16xf32>, vector<16xi32> -> vector<16xf32>
      %parallel_loop3A_349 = arith.addf %parallel_loop3A_345, %parallel_loop3A_348 : vector<16xf32>
      %parallel_loop3A_350 = arith.index_cast %parallel_loop3A_325 : i32 to index
      %parallel_loop3A_351 = tpu.vector_load %arg11[%parallel_loop3A_350] {strides = array<i32>} : memref<8320xf32, #tpu.memory_space<vmem>>, vector<16xf32>,
      %parallel_loop3A_352 = vector.shape_cast %parallel_loop3A_351 : vector<16xf32> to vector<16xf32>
      %parallel_loop3A_353 = vector.shape_cast %parallel_loop3A_349 : vector<16xf32> to vector<16xf32>
      tpu.vector_store %arg11[%parallel_loop3A_350], %parallel_loop3A_353 {strides = array<i32>} : memref<8320xf32, #tpu.memory_space<vmem>>, vector<16xf32>,
    } {sc.loop_unroll_factor = 8 : i64, sc.parallel_access}
    %add3A_262 = arith.constant 33280 : i32
    %add3A_263 = arith.addi %mul3A_6, %add3A_262 : i32
    %dma_start3A_264 = arith.constant 2 : i32
    %dma_start3A_265 = arith.constant 0 : i32
    %dma_start3A_266 = tpu.memref_slice %arg5[%add3A_263] : memref<1600000xf32, #tpu.memory_space<hbm>> -> memref<8320xf32, #tpu.memory_space<hbm>>
    %dma_start3A_267 = tpu.memref_slice %arg16[%dma_start3A_264, %dma_start3A_265] : memref<3x2x!tpu.dma_semaphore, #tpu.memory_space<semaphore_mem>> -> memref<1x1x!tpu.dma_semaphore, #tpu.memory_space<semaphore_mem>>
    %dma_start3A_268 = tpu.memref_squeeze %dma_start3A_267 : memref<1x1x!tpu.dma_semaphore, #tpu.memory_space<semaphore_mem>> -> memref<!tpu.dma_semaphore, #tpu.memory_space<semaphore_mem>>
    %dma_start3A_269 = tpu.memref_slice %arg5[%add3A_263] : memref<1600000xf32, #tpu.memory_space<hbm>> -> memref<8320xf32, #tpu.memory_space<hbm>>
    tpu.enqueue_dma source(%arg11 : memref<8320xf32, #tpu.memory_space<vmem>>) target(%dma_start3A_269 : memref<8320xf32, #tpu.memory_space<hbm>>) target_semaphore(%dma_start3A_268 : memref<!tpu.dma_semaphore, #tpu.memory_space<semaphore_mem>>)
    %add3A_270 = arith.constant 41600 : i32
    %add3A_271 = arith.addi %mul3A_6, %add3A_270 : i32
    %dma_wait3A_272 = arith.constant 0 : i32
    %dma_wait3A_273 = arith.constant 1 : i32
    %dma_wait3A_274 = arith.constant 0 : i32
    %dma_wait3A_275 = tpu.memref_slice %arg2[%dma_wait3A_274, %add3A_271] : memref<2x1600000xi32, #tpu.memory_space<hbm>> -> memref<2x8320xi32, #tpu.memory_space<hbm>>
    %dma_wait3A_276 = tpu.memref_slice %arg16[%dma_wait3A_272, %dma_wait3A_273] : memref<3x2x!tpu.dma_semaphore, #tpu.memory_space<semaphore_mem>> -> memref<1x1x!tpu.dma_semaphore, #tpu.memory_space<semaphore_mem>>
    %dma_wait3A_277 = tpu.memref_squeeze %dma_wait3A_276 : memref<1x1x!tpu.dma_semaphore, #tpu.memory_space<semaphore_mem>> -> memref<!tpu.dma_semaphore, #tpu.memory_space<semaphore_mem>>
    %dma_wait3A_278 = arith.constant 0 : i32
    %dma_wait3A_279 = tpu.memref_slice %arg2[%dma_wait3A_278, %add3A_271] : memref<2x1600000xi32, #tpu.memory_space<hbm>> -> memref<2x8320xi32, #tpu.memory_space<hbm>>
    tpu.wait_dma2 semaphore(%dma_wait3A_277 : memref<!tpu.dma_semaphore, #tpu.memory_space<semaphore_mem>>) src(%dma_wait3A_279 : memref<2x8320xi32, #tpu.memory_space<hbm>>) dst(%arg8 : memref<2x8320xi32, #tpu.memory_space<vmem>>)
    %dma_wait3A_280 = arith.constant 1 : i32
    %dma_wait3A_281 = arith.constant 1 : i32
    %dma_wait3A_282 = tpu.memref_slice %arg3[%add3A_271] : memref<1600000xf32, #tpu.memory_space<hbm>> -> memref<8320xf32, #tpu.memory_space<hbm>>
    %dma_wait3A_283 = tpu.memref_slice %arg16[%dma_wait3A_280, %dma_wait3A_281] : memref<3x2x!tpu.dma_semaphore, #tpu.memory_space<semaphore_mem>> -> memref<1x1x!tpu.dma_semaphore, #tpu.memory_space<semaphore_mem>>
    %dma_wait3A_284 = tpu.memref_squeeze %dma_wait3A_283 : memref<1x1x!tpu.dma_semaphore, #tpu.memory_space<semaphore_mem>> -> memref<!tpu.dma_semaphore, #tpu.memory_space<semaphore_mem>>
    %dma_wait3A_285 = tpu.memref_slice %arg3[%add3A_271] : memref<1600000xf32, #tpu.memory_space<hbm>> -> memref<8320xf32, #tpu.memory_space<hbm>>
    tpu.wait_dma2 semaphore(%dma_wait3A_284 : memref<!tpu.dma_semaphore, #tpu.memory_space<semaphore_mem>>) src(%dma_wait3A_285 : memref<8320xf32, #tpu.memory_space<hbm>>) dst(%arg10 : memref<8320xf32, #tpu.memory_space<vmem>>)
    %add3A_286 = arith.constant 24960 : i32
    %add3A_287 = arith.addi %mul3A_6, %add3A_286 : i32
    %dma_wait3A_288 = arith.constant 2 : i32
    %dma_wait3A_289 = arith.constant 1 : i32
    %dma_wait3A_290 = tpu.memref_slice %arg5[%add3A_287] : memref<1600000xf32, #tpu.memory_space<hbm>> -> memref<8320xf32, #tpu.memory_space<hbm>>
    %dma_wait3A_291 = tpu.memref_slice %arg16[%dma_wait3A_288, %dma_wait3A_289] : memref<3x2x!tpu.dma_semaphore, #tpu.memory_space<semaphore_mem>> -> memref<1x1x!tpu.dma_semaphore, #tpu.memory_space<semaphore_mem>>
    %dma_wait3A_292 = tpu.memref_squeeze %dma_wait3A_291 : memref<1x1x!tpu.dma_semaphore, #tpu.memory_space<semaphore_mem>> -> memref<!tpu.dma_semaphore, #tpu.memory_space<semaphore_mem>>
    %dma_wait3A_293 = tpu.memref_slice %arg5[%add3A_287] : memref<1600000xf32, #tpu.memory_space<hbm>> -> memref<8320xf32, #tpu.memory_space<hbm>>
    tpu.wait_dma2 semaphore(%dma_wait3A_292 : memref<!tpu.dma_semaphore, #tpu.memory_space<semaphore_mem>>) src(%arg12 : memref<8320xf32, #tpu.memory_space<vmem>>) dst(%dma_wait3A_293 : memref<8320xf32, #tpu.memory_space<hbm>>)
    %parallel_loop3A_294 = arith.constant 0 : i32
    %parallel_loop3A_295 = arith.constant 520 : i32
    %parallel_loop3A_296 = arith.constant 1 : i32
    scf.for %parallel_loop3A_323 = %parallel_loop3A_294 to %parallel_loop3A_295 step %parallel_loop3A_296  : i32 {
      %parallel_loop3A_324 = arith.constant 16 : i32
      %parallel_loop3A_325 = arith.muli %parallel_loop3A_323, %parallel_loop3A_324 : i32
      %parallel_loop3A_326 = arith.constant 0 : i32
      %parallel_loop3A_327 = arith.index_cast %parallel_loop3A_326 : i32 to index
      %parallel_loop3A_328 = arith.index_cast %parallel_loop3A_325 : i32 to index
      %parallel_loop3A_329 = tpu.vector_load %arg8[%parallel_loop3A_327, %parallel_loop3A_328] {strides = array<i32>} : memref<2x8320xi32, #tpu.memory_space<vmem>>, vector<1x16xi32>,
      %parallel_loop3A_330 = vector.shape_cast %parallel_loop3A_329 : vector<1x16xi32> to vector<16xi32>
      %parallel_loop3A_331 = arith.constant 4 : i32
      %parallel_loop3A_332 = vector.broadcast %parallel_loop3A_331 : i32 to vector<16xi32>
      %parallel_loop3A_333 = arith.muli %parallel_loop3A_330, %parallel_loop3A_332 : vector<16xi32>
      %parallel_loop3A_334 = arith.constant 1 : i32
      %parallel_loop3A_335 = arith.index_cast %parallel_loop3A_334 : i32 to index
      %parallel_loop3A_336 = arith.index_cast %parallel_loop3A_325 : i32 to index
      %parallel_loop3A_337 = tpu.vector_load %arg8[%parallel_loop3A_335, %parallel_loop3A_336] {strides = array<i32>} : memref<2x8320xi32, #tpu.memory_space<vmem>>, vector<1x16xi32>,
      %parallel_loop3A_338 = vector.shape_cast %parallel_loop3A_337 : vector<1x16xi32> to vector<16xi32>
      %parallel_loop3A_339 = arith.addi %parallel_loop3A_333, %parallel_loop3A_338 : vector<16xi32>
      %parallel_loop3A_340 = arith.index_cast %parallel_loop3A_325 : i32 to index
      %parallel_loop3A_341 = tpu.vector_load %arg10[%parallel_loop3A_340] {strides = array<i32>} : memref<8320xf32, #tpu.memory_space<vmem>>, vector<16xf32>,
      %parallel_loop3A_342 = vector.shape_cast %parallel_loop3A_341 : vector<16xf32> to vector<16xf32>
      %parallel_loop3A_343 = arith.mulf %parallel_loop3A_342, %parallel_loop3A_342 : vector<16xf32>
      %parallel_loop3A_344 = arith.mulf %parallel_loop3A_343, %parallel_loop3A_343 : vector<16xf32>
      %parallel_loop3A_345 = arith.mulf %parallel_loop3A_344, %parallel_loop3A_343 : vector<16xf32>
      %parallel_loop3A_346 = vector.shape_cast %parallel_loop3A_339 : vector<16xi32> to vector<16x1xi32>
      %parallel_loop3A_347 = vector.shape_cast %parallel_loop3A_346 : vector<16x1xi32> to vector<16xi32>
      %parallel_loop3A_348 = tpu.dynamic_gather %mul3A_17[%parallel_loop3A_347] in [0] : vector<16xf32>, vector<16xi32> -> vector<16xf32>
      %parallel_loop3A_349 = arith.addf %parallel_loop3A_345, %parallel_loop3A_348 : vector<16xf32>
      %parallel_loop3A_350 = arith.index_cast %parallel_loop3A_325 : i32 to index
      %parallel_loop3A_351 = tpu.vector_load %arg12[%parallel_loop3A_350] {strides = array<i32>} : memref<8320xf32, #tpu.memory_space<vmem>>, vector<16xf32>,
      %parallel_loop3A_352 = vector.shape_cast %parallel_loop3A_351 : vector<16xf32> to vector<16xf32>
      %parallel_loop3A_353 = vector.shape_cast %parallel_loop3A_349 : vector<16xf32> to vector<16xf32>
      tpu.vector_store %arg12[%parallel_loop3A_350], %parallel_loop3A_353 {strides = array<i32>} : memref<8320xf32, #tpu.memory_space<vmem>>, vector<16xf32>,
    } {sc.loop_unroll_factor = 8 : i64, sc.parallel_access}
    %add3A_297 = arith.constant 41600 : i32
    %add3A_298 = arith.addi %mul3A_6, %add3A_297 : i32
    %dma_start3A_299 = arith.constant 2 : i32
    %dma_start3A_300 = arith.constant 1 : i32
    %dma_start3A_301 = tpu.memref_slice %arg5[%add3A_298] : memref<1600000xf32, #tpu.memory_space<hbm>> -> memref<8320xf32, #tpu.memory_space<hbm>>
    %dma_start3A_302 = tpu.memref_slice %arg16[%dma_start3A_299, %dma_start3A_300] : memref<3x2x!tpu.dma_semaphore, #tpu.memory_space<semaphore_mem>> -> memref<1x1x!tpu.dma_semaphore, #tpu.memory_space<semaphore_mem>>
    %dma_start3A_303 = tpu.memref_squeeze %dma_start3A_302 : memref<1x1x!tpu.dma_semaphore, #tpu.memory_space<semaphore_mem>> -> memref<!tpu.dma_semaphore, #tpu.memory_space<semaphore_mem>>
    %dma_start3A_304 = tpu.memref_slice %arg5[%add3A_298] : memref<1600000xf32, #tpu.memory_space<hbm>> -> memref<8320xf32, #tpu.memory_space<hbm>>
    tpu.enqueue_dma source(%arg12 : memref<8320xf32, #tpu.memory_space<vmem>>) target(%dma_start3A_304 : memref<8320xf32, #tpu.memory_space<hbm>>) target_semaphore(%dma_start3A_303 : memref<!tpu.dma_semaphore, #tpu.memory_space<semaphore_mem>>)
    %add3A_305 = arith.constant 33280 : i32
    %add3A_306 = arith.addi %mul3A_6, %add3A_305 : i32
    %dma_wait3A_307 = arith.constant 2 : i32
    %dma_wait3A_308 = arith.constant 0 : i32
    %dma_wait3A_309 = tpu.memref_slice %arg5[%add3A_306] : memref<1600000xf32, #tpu.memory_space<hbm>> -> memref<8320xf32, #tpu.memory_space<hbm>>
    %dma_wait3A_310 = tpu.memref_slice %arg16[%dma_wait3A_307, %dma_wait3A_308] : memref<3x2x!tpu.dma_semaphore, #tpu.memory_space<semaphore_mem>> -> memref<1x1x!tpu.dma_semaphore, #tpu.memory_space<semaphore_mem>>
    %dma_wait3A_311 = tpu.memref_squeeze %dma_wait3A_310 : memref<1x1x!tpu.dma_semaphore, #tpu.memory_space<semaphore_mem>> -> memref<!tpu.dma_semaphore, #tpu.memory_space<semaphore_mem>>
    %dma_wait3A_312 = tpu.memref_slice %arg5[%add3A_306] : memref<1600000xf32, #tpu.memory_space<hbm>> -> memref<8320xf32, #tpu.memory_space<hbm>>
    tpu.wait_dma2 semaphore(%dma_wait3A_311 : memref<!tpu.dma_semaphore, #tpu.memory_space<semaphore_mem>>) src(%arg11 : memref<8320xf32, #tpu.memory_space<vmem>>) dst(%dma_wait3A_312 : memref<8320xf32, #tpu.memory_space<hbm>>)
    %add3A_313 = arith.constant 41600 : i32
    %add3A_314 = arith.addi %mul3A_6, %add3A_313 : i32
    %dma_wait3A_315 = arith.constant 2 : i32
    %dma_wait3A_316 = arith.constant 1 : i32
    %dma_wait3A_317 = tpu.memref_slice %arg5[%add3A_314] : memref<1600000xf32, #tpu.memory_space<hbm>> -> memref<8320xf32, #tpu.memory_space<hbm>>
    %dma_wait3A_318 = tpu.memref_slice %arg16[%dma_wait3A_315, %dma_wait3A_316] : memref<3x2x!tpu.dma_semaphore, #tpu.memory_space<semaphore_mem>> -> memref<1x1x!tpu.dma_semaphore, #tpu.memory_space<semaphore_mem>>
    %dma_wait3A_319 = tpu.memref_squeeze %dma_wait3A_318 : memref<1x1x!tpu.dma_semaphore, #tpu.memory_space<semaphore_mem>> -> memref<!tpu.dma_semaphore, #tpu.memory_space<semaphore_mem>>
    %dma_wait3A_320 = tpu.memref_slice %arg5[%add3A_314] : memref<1600000xf32, #tpu.memory_space<hbm>> -> memref<8320xf32, #tpu.memory_space<hbm>>
    tpu.wait_dma2 semaphore(%dma_wait3A_319 : memref<!tpu.dma_semaphore, #tpu.memory_space<semaphore_mem>>) src(%arg12 : memref<8320xf32, #tpu.memory_space<vmem>>) dst(%dma_wait3A_320 : memref<8320xf32, #tpu.memory_space<hbm>>)
    %lt3A = arith.constant 20 : i32
    %lt3A_321 = arith.cmpi slt, %add3A, %lt3A : i32
    %convert_element_type3A = arith.extui %lt3A_321 : i1 to i32
    %cond3A = arith.constant 0 : i32
    %cond3A_322 = arith.cmpi ne, %convert_element_type3A, %cond3A : i32
    scf.if %cond3A_322 {
      %add3A_323 = arith.constant 49920 : i32
      %add3A_324 = arith.addi %mul3A_6, %add3A_323 : i32
      "tpu.region"() ({
        %run_scoped3A = tpu.sem_alloc : memref<!tpu.dma_semaphore, #tpu.memory_space<semaphore_mem>>
        %dma_start3A_328 = arith.constant 0 : i32
        %dma_start3A_329 = tpu.memref_slice %arg2[%dma_start3A_328, %add3A_324] : memref<2x1600000xi32, #tpu.memory_space<hbm>> -> memref<2x128xi32, #tpu.memory_space<hbm>>
        %dma_start3A_330 = arith.constant 0 : i32
        %dma_start3A_331 = tpu.memref_slice %arg2[%dma_start3A_330, %add3A_324] : memref<2x1600000xi32, #tpu.memory_space<hbm>> -> memref<2x128xi32, #tpu.memory_space<hbm>>
        tpu.enqueue_dma source(%dma_start3A_331 : memref<2x128xi32, #tpu.memory_space<hbm>>) target(%arg13 : memref<2x128xi32, #tpu.memory_space<vmem>>) target_semaphore(%run_scoped3A : memref<!tpu.dma_semaphore, #tpu.memory_space<semaphore_mem>>)
        %dma_wait3A_332 = arith.constant 0 : i32
        %dma_wait3A_333 = tpu.memref_slice %arg2[%dma_wait3A_332, %add3A_324] : memref<2x1600000xi32, #tpu.memory_space<hbm>> -> memref<2x128xi32, #tpu.memory_space<hbm>>
        %dma_wait3A_334 = arith.constant 0 : i32
        %dma_wait3A_335 = tpu.memref_slice %arg2[%dma_wait3A_334, %add3A_324] : memref<2x1600000xi32, #tpu.memory_space<hbm>> -> memref<2x128xi32, #tpu.memory_space<hbm>>
        tpu.wait_dma2 semaphore(%run_scoped3A : memref<!tpu.dma_semaphore, #tpu.memory_space<semaphore_mem>>) src(%dma_wait3A_335 : memref<2x128xi32, #tpu.memory_space<hbm>>) dst(%arg13 : memref<2x128xi32, #tpu.memory_space<vmem>>)
        tpu.yield
      }) : () -> ()
      "tpu.region"() ({
        %run_scoped3A = tpu.sem_alloc : memref<!tpu.dma_semaphore, #tpu.memory_space<semaphore_mem>>
        %dma_start3A_328 = tpu.memref_slice %arg3[%add3A_324] : memref<1600000xf32, #tpu.memory_space<hbm>> -> memref<128xf32, #tpu.memory_space<hbm>>
        %dma_start3A_329 = tpu.memref_slice %arg3[%add3A_324] : memref<1600000xf32, #tpu.memory_space<hbm>> -> memref<128xf32, #tpu.memory_space<hbm>>
        tpu.enqueue_dma source(%dma_start3A_329 : memref<128xf32, #tpu.memory_space<hbm>>) target(%arg14 : memref<128xf32, #tpu.memory_space<vmem>>) target_semaphore(%run_scoped3A : memref<!tpu.dma_semaphore, #tpu.memory_space<semaphore_mem>>)
        %dma_wait3A_330 = tpu.memref_slice %arg3[%add3A_324] : memref<1600000xf32, #tpu.memory_space<hbm>> -> memref<128xf32, #tpu.memory_space<hbm>>
        %dma_wait3A_331 = tpu.memref_slice %arg3[%add3A_324] : memref<1600000xf32, #tpu.memory_space<hbm>> -> memref<128xf32, #tpu.memory_space<hbm>>
        tpu.wait_dma2 semaphore(%run_scoped3A : memref<!tpu.dma_semaphore, #tpu.memory_space<semaphore_mem>>) src(%dma_wait3A_331 : memref<128xf32, #tpu.memory_space<hbm>>) dst(%arg14 : memref<128xf32, #tpu.memory_space<vmem>>)
        tpu.yield
      }) : () -> ()
      %parallel_loop3A_325 = arith.constant 0 : i32
      %parallel_loop3A_326 = arith.constant 8 : i32
      %parallel_loop3A_327 = arith.constant 1 : i32
      scf.for %parallel_loop3A_328 = %parallel_loop3A_325 to %parallel_loop3A_326 step %parallel_loop3A_327  : i32 {
        %parallel_loop3A_329 = arith.constant 16 : i32
        %parallel_loop3A_330 = arith.muli %parallel_loop3A_328, %parallel_loop3A_329 : i32
        %parallel_loop3A_331 = arith.constant 0 : i32
        %parallel_loop3A_332 = arith.index_cast %parallel_loop3A_331 : i32 to index
        %parallel_loop3A_333 = arith.index_cast %parallel_loop3A_330 : i32 to index
        %parallel_loop3A_334 = tpu.vector_load %arg13[%parallel_loop3A_332, %parallel_loop3A_333] {strides = array<i32>} : memref<2x128xi32, #tpu.memory_space<vmem>>, vector<1x16xi32>,
        %parallel_loop3A_335 = vector.shape_cast %parallel_loop3A_334 : vector<1x16xi32> to vector<16xi32>
        %parallel_loop3A_336 = arith.constant 4 : i32
        %parallel_loop3A_337 = vector.broadcast %parallel_loop3A_336 : i32 to vector<16xi32>
        %parallel_loop3A_338 = arith.muli %parallel_loop3A_335, %parallel_loop3A_337 : vector<16xi32>
        %parallel_loop3A_339 = arith.constant 1 : i32
        %parallel_loop3A_340 = arith.index_cast %parallel_loop3A_339 : i32 to index
        %parallel_loop3A_341 = arith.index_cast %parallel_loop3A_330 : i32 to index
        %parallel_loop3A_342 = tpu.vector_load %arg13[%parallel_loop3A_340, %parallel_loop3A_341] {strides = array<i32>} : memref<2x128xi32, #tpu.memory_space<vmem>>, vector<1x16xi32>,
        %parallel_loop3A_343 = vector.shape_cast %parallel_loop3A_342 : vector<1x16xi32> to vector<16xi32>
        %parallel_loop3A_344 = arith.addi %parallel_loop3A_338, %parallel_loop3A_343 : vector<16xi32>
        %parallel_loop3A_345 = arith.index_cast %parallel_loop3A_330 : i32 to index
        %parallel_loop3A_346 = tpu.vector_load %arg14[%parallel_loop3A_345] {strides = array<i32>} : memref<128xf32, #tpu.memory_space<vmem>>, vector<16xf32>,
        %parallel_loop3A_347 = vector.shape_cast %parallel_loop3A_346 : vector<16xf32> to vector<16xf32>
        %parallel_loop3A_348 = arith.mulf %parallel_loop3A_347, %parallel_loop3A_347 : vector<16xf32>
        %parallel_loop3A_349 = arith.mulf %parallel_loop3A_348, %parallel_loop3A_348 : vector<16xf32>
        %parallel_loop3A_350 = arith.mulf %parallel_loop3A_349, %parallel_loop3A_348 : vector<16xf32>
        %parallel_loop3A_351 = vector.shape_cast %parallel_loop3A_344 : vector<16xi32> to vector<16x1xi32>
        %parallel_loop3A_352 = vector.shape_cast %parallel_loop3A_351 : vector<16x1xi32> to vector<16xi32>
        %parallel_loop3A_353 = tpu.dynamic_gather %mul3A_17[%parallel_loop3A_352] in [0] : vector<16xf32>, vector<16xi32> -> vector<16xf32>
        %parallel_loop3A_354 = arith.addf %parallel_loop3A_350, %parallel_loop3A_353 : vector<16xf32>
        %parallel_loop3A_355 = arith.index_cast %parallel_loop3A_330 : i32 to index
        %parallel_loop3A_356 = tpu.vector_load %arg15[%parallel_loop3A_355] {strides = array<i32>} : memref<128xf32, #tpu.memory_space<vmem>>, vector<16xf32>,
        %parallel_loop3A_357 = vector.shape_cast %parallel_loop3A_356 : vector<16xf32> to vector<16xf32>
        %parallel_loop3A_358 = vector.shape_cast %parallel_loop3A_354 : vector<16xf32> to vector<16xf32>
        tpu.vector_store %arg15[%parallel_loop3A_355], %parallel_loop3A_358 {strides = array<i32>} : memref<128xf32, #tpu.memory_space<vmem>>, vector<16xf32>,
      } {sc.loop_unroll_factor = 4 : i64, sc.parallel_access}
      "tpu.region"() ({
        %run_scoped3A = tpu.sem_alloc : memref<!tpu.dma_semaphore, #tpu.memory_space<semaphore_mem>>
        %dma_start3A_328 = tpu.memref_slice %arg5[%add3A_324] : memref<1600000xf32, #tpu.memory_space<hbm>> -> memref<128xf32, #tpu.memory_space<hbm>>
        %dma_start3A_329 = tpu.memref_slice %arg5[%add3A_324] : memref<1600000xf32, #tpu.memory_space<hbm>> -> memref<128xf32, #tpu.memory_space<hbm>>
        tpu.enqueue_dma source(%arg15 : memref<128xf32, #tpu.memory_space<vmem>>) target(%dma_start3A_329 : memref<128xf32, #tpu.memory_space<hbm>>) target_semaphore(%run_scoped3A : memref<!tpu.dma_semaphore, #tpu.memory_space<semaphore_mem>>)
        %dma_wait3A_330 = tpu.memref_slice %arg5[%add3A_324] : memref<1600000xf32, #tpu.memory_space<hbm>> -> memref<128xf32, #tpu.memory_space<hbm>>
        %dma_wait3A_331 = tpu.memref_slice %arg5[%add3A_324] : memref<1600000xf32, #tpu.memory_space<hbm>> -> memref<128xf32, #tpu.memory_space<hbm>>
        tpu.wait_dma2 semaphore(%run_scoped3A : memref<!tpu.dma_semaphore, #tpu.memory_space<semaphore_mem>>) src(%arg15 : memref<128xf32, #tpu.memory_space<vmem>>) dst(%dma_wait3A_331 : memref<128xf32, #tpu.memory_space<hbm>>)
        tpu.yield
      }) : () -> ()
    } else {
    }
    return
  }
}

</mosaic_0001>

<sc_bundles>
// kernel: kernel.3.cloned.1.call-start
scs
__scs_entry_jumppad:
0x0: {  	(pc) =	sbr.rel $0x88, $3  }
0x1: {  	(tag) =	ssettag $0x0;
	lr =	simm.s32 $0x1  }
0x2: {  	[smem:$0x3F9E] =	sst lr;
	_ =	strace $0xD0000000  }
0x3: {  	_ = 	snop  }
0x4: {  	_ = 	snop  }
0x5: {  	_ = 	snop  }
0x6: {  	_ = 	snop  }
0x7: {  	_ = 	snop  }
__scs_overlays_trampoline_lowered:
0x8: {  	[smem:$0x3FAD] =	sst s0  }
0x9: {  	[smem:$0x3FAE] =	sst s1  }
0xa: {  	[smem:$0x3FAF] =	sst s2  }
0xb: {  	[smem:$0x3FB0] =	sst s3  }
0xc: {  	[smem:$0x3FB1] =	sst s4  }
0xd: {  	[smem:$0x3FB2] =	sst s5  }
0xe: {  	[smem:$0x3FB3] =	sst s6  }
0xf: {  	[smem:$0x3FB4] =	sst s7  }
0x10: {  	[smem:$0x3FB5] =	sst s8  }
0x11: {  	[smem:$0x3FB6] =	sst s9;
	s0 =	simm.s32 @!p0 $0x0  }
0x12: {  	s1 =	sld [smem:$0x3F9C];
	s0 =	simm.s32 @p0 $0x1  }
0x13: {  	[smem:$0x3FB7] =	sst s0;
	s0 =	simm.s32 @!p1 $0x0  }
0x14: {  	s2 =	sld [smem:$0x3F9B];
	s0 =	simm.s32 @p1 $0x1  }
0x15: {  	[smem:$0x3FB8] =	sst s0;
	s0 =	simm.s32 @!p2 $0x0  }
0x16: {  	s3 =	sld [smem:$0x3FDB];
	s0 =	simm.s32 @p2 $0x1  }
0x17: {  	s4 =	simm.s32 $0x1BF5;
	[smem:$0x3FBA] =	sst s0  }
0x18: {  	s0 =	sld [smem:$0x3F9D];
	_ =	swait.ge [sflag:s4], $0x0  }
0x19: {  	s7 =	sld [smem:$0x3F9E]  }
0x1a: {  	s8 =	sadd.s32 $0xFFFFE003, lr  }
0x1b: {  	s9 =	sadd.s32 $0xFFFFFEF7, lr;
	s5 =	simm.s32 $0xFFFFFFFF;
	p2 =	slt.u32 s8, $0xFFFFF086  }
0x1c: {  	p1 =	slt.u32 s9, $0xF7A;
	s5 =	simm.s32 @!p2 $0x0  }
0x1d: {  	s5 =	simm.s32 @p1 $0x1;
	p0 =	seq.s32 s7, s2  }
0x1e: {  	s7 =	smul.u32 @!p0 $0xF7A, s2;
	p2 =	seq.s32 @!p0 s5, $0x0  }
0x1f: {  	s9 =	smul.u32 $0xF7A, s1;
	s8 =	simm.s32 @!p0 $0x1BF5;
	p2 =	por !p2, p0  }
0x20: {  	[sflag:s8] =	ssyncset.s32 @!p0 $0xFFFFF086;
	s6 =	sadd.s32 @!p0 s3, s7;
	s7 =	simm.s32 @!p0 $0x108  }
0x21: {  	s3 =	sadd.s32 s3, s9;
	s6 =	sadd.s32 @!p0 $0x88, s6;
	s7 =	simm.s32 @p2 $0x1082  }
0x22: {  	[simem:s7], [sflag:s8] =	dma.local @!p0 [hbm:s6], $0xF7A  }
0x23: {  	s9 =	sor.u32 $0xD0000000, s2;
	s6 =	simm.s32 $0x108;
	_ =	swait.ge @!p0 [sflag:s8], $0x0  }
0x24: {  	s3 =	sadd.s32 $0x88, s3;
	s6 =	simm.s32 @!p1 $0x1082;
	[sflag:s4] =	ssyncset.s32 $0xFFFFF086  }
0x25: {  	[simem:s6], [sflag:s4] =	dma.local [hbm:s3], $0xF7A  }
0x26: {  	[smem:$0x3F9E] =	sst s1;
	(tag) =	ssettag s2;
	_ =	strace s9  }
0x27: {  	s1 =	sld [smem:$0x3FAE]  }
0x28: {  	s2 =	sld [smem:$0x3FAF]  }
0x29: {  	s4 =	sld [smem:$0x3FB1]  }
0x2a: {  	p0 =	seq.s32 s5, $0x0;
	s5 =	sld [smem:$0x3FB2]  }
0x2b: {  	s6 =	sld [smem:$0x3FB3]  }
0x2c: {  	s7 =	sld [smem:$0x3FB4]  }
0x2d: {  	s3 =	simm.s32 $0x108;
	s8 =	sld [smem:$0x3FB5]  }
0x2e: {  	s3 =	simm.s32 @!p0 $0x1082;
	s9 =	sld [smem:$0x3FB6]  }
0x2f: {  	lr =	sadd.s32 s0, s3;
	s0 =	sld [smem:$0x3FAD]  }
0x30: {  	s3 =	sld [smem:$0x3FB0]  }
0x31: {  	[smem:$0x3FB9] =	sst s10  }
0x32: {  	s10 =	sld [smem:$0x3FB7];
	_ =	sdelay $0x3  }
0x33: {  	p0 =	seq.s32 s10, $0x1;
	s10 =	sld [smem:$0x3FB9];
	_ =	sdelay $0x3  }
0x34: {  	[smem:$0x3FB9] =	sst s10  }
0x35: {  	s10 =	sld [smem:$0x3FB8];
	_ =	sdelay $0x3  }
0x36: {  	p1 =	seq.s32 s10, $0x1;
	s10 =	sld [smem:$0x3FB9];
	_ =	sdelay $0x3  }
0x37: {  	[smem:$0x3FB9] =	sst s10  }
0x38: {  	s10 =	sld [smem:$0x3FBA]  }
0x39: {  	_ = 	snop;
	(pc) =	sbr.ind lr, $3  }
0x3a: {  	_ = 	snop  }
0x3b: {  	_ = 	snop  }
0x3c: {  	p2 =	seq.s32 s10, $0x1;
	s10 =	sld [smem:$0x3FB9]  }
0x3d: {  	_ =	shalt  }
0x3e: {  	_ =	shalt  }
0x3f: {  	_ =	shalt  }
0x40: {  	_ =	shalt  }
0x41: {  	_ =	shalt  }
0x42: {  	_ =	shalt  }
0x43: {  	_ =	shalt  }
0x44: {  	_ =	shalt  }
0x45: {  	_ =	shalt  }
0x46: {  	_ =	shalt  }
0x47: {  	_ =	shalt  }
0x48: {  	_ =	shalt  }
0x49: {  	_ =	shalt  }
0x4a: {  	_ =	shalt  }
0x4b: {  	_ =	shalt  }
0x4c: {  	_ =	shalt  }
0x4d: {  	_ =	shalt  }
0x4e: {  	_ =	shalt  }
0x4f: {  	_ =	shalt  }
0x50: {  	_ =	shalt  }
0x51: {  	_ =	shalt  }
0x52: {  	_ =	shalt  }
0x53: {  	_ =	shalt  }
0x54: {  	_ =	shalt  }
0x55: {  	_ =	shalt  }
0x56: {  	_ =	shalt  }
0x57: {  	_ =	shalt  }
0x58: {  	_ =	shalt  }
0x59: {  	_ =	shalt  }
0x5a: {  	_ =	shalt  }
0x5b: {  	_ =	shalt  }
0x5c: {  	_ =	shalt  }
0x5d: {  	_ =	shalt  }
0x5e: {  	_ =	shalt  }
0x5f: {  	_ =	shalt  }
0x60: {  	_ =	shalt  }
0x61: {  	_ =	shalt  }
0x62: {  	_ =	shalt  }
0x63: {  	_ =	shalt  }
0x64: {  	_ =	shalt  }
0x65: {  	_ =	shalt  }
0x66: {  	_ =	shalt  }
0x67: {  	_ =	shalt  }
0x68: {  	_ =	shalt  }
0x69: {  	_ =	shalt  }
0x6a: {  	_ =	shalt  }
0x6b: {  	_ =	shalt  }
0x6c: {  	_ =	shalt  }
0x6d: {  	_ =	shalt  }
0x6e: {  	_ =	shalt  }
0x6f: {  	_ =	shalt  }
0x70: {  	_ =	shalt  }
0x71: {  	_ =	shalt  }
0x72: {  	_ =	shalt  }
0x73: {  	_ =	shalt  }
0x74: {  	_ =	shalt  }
0x75: {  	_ =	shalt  }
0x76: {  	_ =	shalt  }
0x77: {  	_ =	shalt  }
0x78: {  	_ =	shalt  }
0x79: {  	_ =	shalt  }
0x7a: {  	_ =	shalt  }
0x7b: {  	_ =	shalt  }
0x7c: {  	_ =	shalt  }
0x7d: {  	_ =	shalt  }
0x7e: {  	_ =	shalt  }
0x7f: {  	_ =	shalt  }
0x80: {  	_ =	shalt  }
0x81: {  	_ =	shalt  }
0x82: {  	_ =	shalt  }
0x83: {  	_ =	shalt  }
0x84: {  	_ =	shalt  }
0x85: {  	_ =	shalt  }
0x86: {  	_ =	shalt  }
0x87: {  	_ =	shalt  }
.Lfunc_end0:
.L_simem_size_0:
called_computation_lowered:
.L_overlay_start_0:
0x88: {  	s2 =	sld [smem:$0x3FD9]  }
0x89: {  	s3 =	sld [smem:$0x3FFE];
	_ =	sdelay $0x1  }
0x8a: {  	s1 =	srdreg.scid  }
0x8b: {  	s0 =	sand.u32 $0x1, s1  }
0x8c: {  	s17 =	sshll.u32 s0, $0xA;
	s2 =	sadd.s32 s3, s2  }
0x8d: {  	s2 =	sadd.s32 s2, s17  }
0x8e: {  	[smem:$0x3FC5] =	sst s2  }
0x8f: {  	_ = 	snop  }
0x90: {  	s2 =	sld [smem:$0x3FC9]  }
0x91: {  	s18 =	sld [smem:$0x3FC8]  }
0x92: {  	s4 =	sld [smem:$0x3FD0];
	(tm) =	ssettm $0x1  }
0x93: {  	s5 =	sld [smem:$0x3FFB];
	_ =	sdelay $0x3  }
0x94: {  	_ =	strace s5  }
0x95: {  	s5 =	sld [smem:$0x3FFC];
	_ =	sdelay $0x3  }
0x96: {  	_ =	strace s5  }
0x97: {  	s5 =	sld [smem:$0x3FFD];
	_ =	sdelay $0x3  }
0x98: {  	_ =	strace s5  }
0x99: {  	_ =	strace $0x8FFFFFFF  }
0x9a: {  	s19 =	sld [smem:$0x3FDB];
	_ =	sdelay $0x1  }
0x9b: {  	s6 =	simm.s32 $_scs_section_size  }
0x9c: {  	s7 =	simm.s32 $_size__tile_overlayer_lowered;
	s8 =	simm.s32 $_tile_overlayer_lowered  }
0x9d: {  	s22 =	simm.s32 $0x1BFF;
	s21 =	sshll.u32 s8, $0x1;
	s5 =	sadd.s32 s6, s19  }
0x9e: {  	s9 =	simm.s32 $0x0;
	s20 =	sshll.u32 s7, $0x1;
	s7 =	sadd.s32 s21, s5  }
0x9f: {  	[timem:s9], [sflag:s22] =	dma.local [hbm:s7], s20  }
0xa0: {  	_ =	swait.ge [sflag:s22], s20  }
0xa1: {  	s6 =	ssub.s32 $0x0, s20;
	[sflag:s22] =	ssyncset.done $0x0  }
0xa2: {  	[sflag:s22] =	ssyncadd.s32 s6;
	_ =	sdelay $0x1  }
0xa3: {  	s23 =	simm.s32 $0x1B8B  }
0xa4: {  	_ =	swait.ge [sflag:s23], $0x1  }
0xa5: {  	[sflag:s23] =	ssyncset.done $0x0  }
0xa6: {  	s25 =	simm.s32 $0x1B8E;
	s24 =	sld [smem:$0x3FFE];
	[sflag:s23] =	ssyncadd.s32 $0xFFFFFFFF  }
0xa7: {  	s26 =	simm.s32 $execute0_lowered;
	[smem:$0x3FD2] =	sst s25  }
0xa8: {  	s7 =	sshll.u32 s26, $0x1;
	_ =	strace $0x80000046;
	[dreg:$0x1] =	wrdreg $0xFFFFFFFF  }
0xa9: {  	s28 =	simm.s32 $_size_execute0_lowered;
	s5 =	sadd.s32 s5, s7;
	[dreg:$0x0] =	wrdreg $0x0  }
0xaa: {  	s7 =	sshll.u32 s28, $0x1;
	[dreg:$0x2] =	wrdreg s5  }
0xab: {  	[dreg:$0x3] =	wrdreg s7  }
0xac: {  	[dreg:$0x4] =	wrdreg $0xC0  }
0xad: {  	_ =	task [dreg:s9], $0x5FFFF  }
0xae: {  	[dreg:$0x1] =	wrdreg $0xFFFFFFFF  }
0xaf: {  	[dreg:$0x0] =	wrdreg $0x60  }
0xb0: {  	[dreg:$0x2] =	wrdreg s2  }
0xb1: {  	[dreg:$0x3] =	wrdreg s18  }
0xb2: {  	[dreg:$0x4] =	wrdreg s24  }
0xb3: {  	[dreg:$0x5] =	wrdreg s4  }
0xb4: {  	[dreg:$0x6] =	wrdreg $0x9  }
0xb5: {  	_ =	task.clear_ibuf [dreg:s9], $0x7FFFF;
	_ =	strace $0x90000046  }
0xb6: {  	s29 =	simm.s32 $0x9;
	_ =	strace $0x80000048  }
0xb7: {  	_ =	swait.ge [sflag:s29], $0x1  }
0xb8: {  	[sflag:s29] =	ssyncadd.s32 $0xFFFFFFFF  }
0xb9: {  	_ =	strace $0x90000048  }
0xba: {  	_ =	sfence  }
0xbb: {  	s30 =	sld [smem:$0x0];
	_ =	sdelay $0x2  }
0xbc: {  	s31 =	sshll.u32 s1, $0xD;
	s1 =	sshrl.u32 s1, $0x2  }
0xbd: {  	s3 =	sand.u32 $0x4000, s31;
	s1 =	sadd.s32 s1, s30  }
0xbe: {  	s0 =	sor.u32 s3, s0;
	s1 =	sshll.u32 s1, $0x11  }
0xbf: {  	s0 =	sor.u32 s1, s0  }
0xc0: {  	s0 =	sadd.s32 $0x8F2B, s0  }
0xc1: {  	[sflag:s0] =	ssyncadd.remote.s32 $0x1  }
0xc2: {  	_ =	sfence.sel $0xFFFF  }
0xc3: {  	[dreg:$0x0] =	wrdreg $0xFFFFFFFF;
	(pc) =	sbr.abs _section_cstart, $3  }
0xc4: {  	[dreg:$0x1] =	wrdreg $0xFFFFFFFF  }
0xc5: {  	_ =	task.clear_ibuf [dreg:s9], $0x2FFFF;
	_ =	strace $0x9FFFFFFF  }
0xc6: {  	(tm) =	ssettm $0x7FFFFFFF  }
0xc7: {  	_ =	shalt  }
tec
execute0_lowered:
.L_overlay_start_1:
0x0: {  	(tag) =	ssettag $0x1  }
0x1: {  	s1 =	rddreg [dreg:$0x0]  }
0x2: {  	s0 =	srdreg.scid;
	s3 =	rddreg [dreg:$0x1]  }
0x3: {  	s9 =	stileid.u32;
	s4 =	rddreg [dreg:$0x2]  }
0x4: {  	s6 =	rddreg [dreg:$0x3];
	s0 =	sand.u32 $0x1, s0;
	s2 =	sshll.u32 s9, $0x1  }
0x5: {  	s28 =	simm.s32 $0x80;
	s29 =	simm.s32 $0x8280;
	s2 =	sor.u32 s0, s2  }
0x6: {  	s30 =	simm.s32 $0x4180;
	s0 =	ssub.s32 $0x2, s0;
	s5 =	smul.u32 $0x186, s2  }
0x7: {  	s31 =	simm.s32 $0xA300;
	s2 =	smin.u32 s2, $0x14;
	s7 =	sshrl.u32 s0, $0x1  }
0x8: {  	p0 =	sgt.u32 s9, $0x9;
	s0 =	ssub.s32 s0, s7;
	s2 =	sadd.s32 s2, s5  }
0x9: {  	s5 =	sshll.u32 s2, $0x7;
	s10 =	sshll.u32 s2, $0x5;
	s2 =	sshll.u32 s2, $0x4  }
0xa: {  	s7 =	sadd.s32 s1, s10;
	s11 =	sadd.s32 $0x2080, s5;
	s8 =	sadd.s32 s3, s2  }
0xb: {  	s14 =	sadd.s32 $0x4100, s5;
	s2 =	sadd.s32 s6, s2;
	s17 =	sadd.s32 $0x6180, s5  }
0xc: {  	s19 =	sadd.s32 $0x8200, s5;
	s21 =	sadd.s32 $0xA280, s5;
	[dreg:$0x5] =	wrdreg s7  }
0xd: {  	s5 =	sadd.s32 $0xC300, s5;
	[dreg:$0x6] =	wrdreg s8;
	s12 =	sshrl.u32 s11, $0x2  }
0xe: {  	s7 =	sshrl.u32 s11, $0x3;
	[dreg:$0x9] =	wrdreg s2;
	s15 =	sshrl.u32 s14, $0x2  }
0xf: {  	s18 =	sshrl.u32 s17, $0x2;
	s20 =	sshrl.u32 s19, $0x2;
	s22 =	sshrl.u32 s21, $0x2  }
0x10: {  	s23 =	sshrl.u32 s21, $0x3;
	s24 =	sshrl.u32 s5, $0x2;
	s21 =	simm.s32 $0x0  }
0x11: {  	s25 =	sshrl.u32 s5, $0x3;
	s8 =	sadd.s32 s1, s12;
	[smem:$0x7FF] =	sst s21  }
0x12: {  	s5 =	simm.s32 $0x0;
	s13 =	sadd.s32 s3, s7;
	[dreg:$0x7] =	wrdreg s8  }
0x13: {  	s2 =	sadd.s32 s1, s15;
	s7 =	sadd.s32 s6, s7;
	[dreg:$0x8] =	wrdreg s13  }
0x14: {  	s10 =	sadd.s32 s1, s18;
	s18 =	sadd.s32 s3, s23;
	[dreg:$0xa] =	wrdreg s2  }
0x15: {  	s26 =	sadd.s32 s3, s25;
	s8 =	sshrl.u32 s14, $0x3;
	[dreg:$0xc] =	wrdreg s7  }
0x16: {  	s2 =	sshrl.u32 s17, $0x3;
	s7 =	sshrl.u32 s19, $0x3;
	s13 =	sadd.s32 s1, s20  }
0x17: {  	s20 =	sadd.s32 s6, s23;
	[dreg:$0xe] =	wrdreg s26;
	s26 =	simm.s32 $0x7  }
0x18: {  	s17 =	simm.s32 $0xC380;
	s23 =	simm.s32 $0x4;
	s16 =	sadd.s32 s3, s8  }
0x19: {  	s11 =	sadd.s32 s3, s2;
	s12 =	sadd.s32 s6, s8;
	s14 =	sadd.s32 s3, s7  }
0x1a: {  	s15 =	sadd.s32 s6, s2;
	s19 =	sadd.s32 s6, s7;
	s2 =	simm.s32 $0xE400  }
.Ltmp0:
0x1b: {  	s3 =	simm.s32 $0x5;
	[dreg:$0xb] =	wrdreg s16;
	(pc) =	sbr.rel .LBB2_1-.Ltmp0, $4  }
0x1c: {  	s16 =	sadd.s32 s1, s22;
	s1 =	sadd.s32 s1, s24;
	s24 =	sadd.s32 $0x400, s4  }
0x1d: {  	s22 =	simm.s32 $0x2;
	[dreg:$0xd] =	wrdreg s1;
	s1 =	sadd.s32 s6, s25  }
0x1e: {  	s4 =	simm.s32 $0x6;
	s25 =	smax.u32 s0, $0x1;
	[dreg:$0xf] =	wrdreg s1  }
0x1f: {  	s0 =	simm.s32 $0x3;
	s1 =	simm.s32 $0x1;
	_ =	strace $0x80000047  }
.LBB2_17:
0x20: {  	s5 =	sadd.s32 $0x1, s5  }
0x21: {  	p1 =	sne.s32 s5, s25  }
.Ltmp1:
0x22: {  	_ = 	snop;
	(pc) =	sbr.rel @!p1 .LBB2_18-.Ltmp1, $1  }
0x23: {  	_ =	sdelay $0x3  }
.LBB2_1:
0x24: {  	[tilespmem:s21], [sflag:$0x7] =	stream.linear.gather [hbm4b:s24+s21], $0x80, $0x38;
	[tilespmem:$0x10680] =	vst v63  }
0x25: {  	_ =	swait.ge [sflag:s26], $0x80  }
0x26: {  	[sflag:s26] =	ssyncset.done $0x0  }
0x27: {  	s6 =	rddreg [dreg:$0x5];
	[sflag:s26] =	ssyncadd.s32 $0xFFFFFF80  }
0x28: {  	v0 =	vld [tilespmem:$0x0];
	[tilespmem:s28], [sflag:$0x1] =	stream.linear.gather [hbm4b:s6+s21], $0x4100, $0x38  }
0x29: {  	s7 =	rddreg [dreg:$0x6]  }
0x2a: {  	[tilespmem:s29], [sflag:$0x3] =	stream.linear.gather [hbm4b:s7+s21], $0x2080, $0x38;
	[tilespmem:$0x10680] =	vst v63  }
0x2b: {  	s8 =	rddreg [dreg:$0x7]  }
0x2c: {  	[tilespmem:s30], [sflag:$0x2] =	stream.linear.gather [hbm4b:s8+s21], $0x4100, $0x38;
	[tilespmem:$0x10680] =	vst v63  }
0x2d: {  	s9 =	rddreg [dreg:$0x8]  }
0x2e: {  	[tilespmem:s31], [sflag:$0x4] =	stream.linear.gather [hbm4b:s9+s21], $0x2080, $0x38;
	[tilespmem:$0x10680] =	vst v63  }
0x2f: {  	_ =	swait.ge [sflag:s1], $0x4100  }
0x30: {  	[sflag:s1] =	ssyncset.done $0x0  }
0x31: {  	[sflag:s1] =	ssyncadd.s32 $0xFFFFBF00  }
0x32: {  	_ =	swait.ge [sflag:s0], $0x2080  }
0x33: {  	[sflag:s0] =	ssyncset.done $0x0  }
0x34: {  	s7 =	simm.s32 $0x82C0;
	v0 =	vmul.f32 $3.980999890e-01, v0;
	[sflag:s0] =	ssyncadd.s32 $0xFFFFDF80  }
0x35: {  	v1 =	vld [tilespmem:s7+$0x30]  }
0x36: {  	s6 =	simm.s32 $0x100;
	v0 =	vadd.f32 $4.421100140e+00, v0;
	v2 =	vld [tilespmem:s7+$0xFFFFFFC0]  }
0x37: {  	v3 =	vld [tilespmem:s6+$0xFFFFFFF0]  }
0x38: {  	v0 =	vmul.f32 v0, v0;
	v5 =	vld [tilespmem:s7+$0xFFFFFFD0]  }
0x39: {  	v6 =	vld [tilespmem:s7+$0xFFFFFFE0]  }
0x3a: {  	v8 =	vmul.f32 v0, v0;
	v9 =	vld [tilespmem:s7+$0x0]  }
0x3b: {  	v11 =	vld [tilespmem:s7+$0x10]  }
0x3c: {  	v0 =	vmul.f32 v8, v0;
	v8 =	vld [tilespmem:s7+$0x20]  }
0x3d: {  	v4 =	vld [tilespmem:s6+$0x70]  }
0x3e: {  	v1 =	vmul.f32 v1, v1  }
0x3f: {  	v7 =	vld [tilespmem:s7+$0xFFFFFFF0];
	v2 =	vmul.f32 v2, v2;
	v5 =	vmul.f32 v5, v5  }
0x40: {  	v13 =	vld [tilespmem:s6+$0xFFFFFFA0];
	v6 =	vmul.f32 v6, v6;
	v9 =	vmul.f32 v9, v9  }
0x41: {  	v14 =	vld [tilespmem:s6+$0xFFFFFFC0];
	v3 =	vshll.u32 v3, $0x2;
	v11 =	vmul.f32 v11, v11;
	v8 =	vmul.f32 v8, v8  }
0x42: {  	v18 =	vld [tilespmem:s6+$0xFFFFFFD0];
	v3 =	vadd.s32 v4, v3;
	v10 =	vmul.f32 v1, v1;
	v12 =	vmul.f32 v2, v2  }
0x43: {  	v19 =	vld [tilespmem:s6+$0xFFFFFFE0];
	v3 =	vperm.xlane v0, v3;
	v15 =	vmul.f32 v6, v6  }
0x44: {  	v20 =	vld [tilespmem:s6+$0xFFFFFF80];
	v17 =	vmul.f32 v9, v9;
	v24 =	vmul.f32 v8, v8  }
0x45: {  	v4 =	vmul.f32 v10, v1;
	v10 =	vld [tilespmem:s6+$0xFFFFFF90];
	v1 =	vmul.f32 v12, v2  }
0x46: {  	v2 =	vld [tilespmem:s6+$0xFFFFFFB0];
	v12 =	vmul.f32 v7, v7;
	v7 =	vmul.f32 v5, v5  }
0x47: {  	v21 =	vld [tilespmem:s6+$0x0];
	v6 =	vmul.f32 v15, v6;
	v15 =	vmul.f32 v11, v11  }
0x48: {  	v22 =	vld [tilespmem:s6+$0x10];
	v16 =	vmul.f32 v12, v12;
	v7 =	vmul.f32 v7, v5  }
0x49: {  	v23 =	vadd.f32 v4, v3;
	v4 =	vmul.f32 v17, v9;
	v17 =	vld [tilespmem:s6+$0x20];
	v3 =	vmul.f32 v15, v11  }
0x4a: {  	v11 =	vshll.u32 v14, $0x2;
	v5 =	vmul.f32 v16, v12;
	v16 =	vld [tilespmem:s6+$0x30];
	v25 =	vshll.u32 v10, $0x2  }
0x4b: {  	v15 =	vld [tilespmem:s6+$0x40];
	v10 =	vshll.u32 v2, $0x2;
	v2 =	vmul.f32 v24, v8;
	v8 =	vshll.u32 v20, $0x2  }
0x4c: {  	s7 =	simm.s32 $0xC3C0;
	v9 =	vshll.u32 v18, $0x2;
	v12 =	vshll.u32 v13, $0x2;
	v13 =	vld [tilespmem:s6+$0x50];
	v14 =	vadd.s32 v21, v8  }
0x4d: {  	s8 =	simm.s32 $0x0;
	s9 =	simm.s32 $0x8340;
	[tilespmem:s7+$0x30] =	vst v23;
	v8 =	vshll.u32 v19, $0x2;
	v19 =	vadd.s32 v22, v25;
	v18 =	vperm.xlane v0, v14;
	v14 =	vld [tilespmem:s6+$0x60]  }
.LBB2_2:
0x4e: {  	v20 =	vld [tilespmem:s9+$0x30];
	s8 =	sadd.s32 $0x8, s8;
	v19 =	vperm.xlane v0, v19;
	v12 =	vadd.s32 v17, v12  }
0x4f: {  	s6 =	sadd.s32 $0x100, s6;
	v17 =	vld [tilespmem:s9+$0xFFFFFFC0];
	p1 =	slt.u32 s8, $0x200;
	v1 =	vadd.f32 v1, v18;
	v12 =	vperm.xlane v0, v12;
	v10 =	vadd.s32 v16, v10  }
0x50: {  	v16 =	vld [tilespmem:s6+$0xFFFFFFF0];
	v7 =	vadd.f32 v7, v19;
	v10 =	vperm.xlane v0, v10;
	v11 =	vadd.s32 v15, v11  }
0x51: {  	v15 =	vld [tilespmem:s6+$0x70];
	[tilespmem:s7+$0xFFFFFFC0] =	vst v1;
	v1 =	vadd.f32 v6, v12;
	v6 =	vperm.xlane v0, v11;
	v9 =	vadd.s32 v13, v9  }
0x52: {  	v11 =	vld [tilespmem:s9+$0xFFFFFFD0];
	[tilespmem:s7+$0xFFFFFFD0] =	vst v7;
	v5 =	vadd.f32 v5, v10;
	v7 =	vperm.xlane v0, v9;
	v8 =	vadd.s32 v14, v8  }
0x53: {  	v9 =	vld [tilespmem:s9+$0xFFFFFFE0];
	v10 =	vmul.f32 v20, v20;
	[tilespmem:s7+$0xFFFFFFE0] =	vst v1;
	v1 =	vadd.f32 v4, v6;
	v4 =	vperm.xlane v0, v8  }
0x54: {  	v6 =	vmul.f32 v17, v17;
	v8 =	vld [tilespmem:s9+$0xFFFFFFF0];
	[tilespmem:s7+$0xFFFFFFF0] =	vst v5;
	v3 =	vadd.f32 v3, v7  }
0x55: {  	v5 =	vld [tilespmem:s9+$0x0];
	v7 =	vshll.u32 v16, $0x2;
	v12 =	vmul.f32 v10, v10;
	[tilespmem:s7+$0x0] =	vst v1;
	v1 =	vadd.f32 v2, v4  }
0x56: {  	v2 =	vmul.f32 v6, v6;
	v4 =	vld [tilespmem:s9+$0x10];
	v7 =	vadd.s32 v15, v7;
	[tilespmem:s7+$0x10] =	vst v3  }
0x57: {  	v3 =	vld [tilespmem:s9+$0x20];
	v10 =	vmul.f32 v12, v10;
	v7 =	vperm.xlane v0, v7;
	[tilespmem:s7+$0x20] =	vst v1  }
0x58: {  	v11 =	vmul.f32 v11, v11;
	v12 =	vld [tilespmem:s6+$0xFFFFFF90];
	v9 =	vmul.f32 v9, v9  }
0x59: {  	v1 =	vmul.f32 v2, v6;
	v2 =	vld [tilespmem:s6+$0xFFFFFFA0];
	v8 =	vmul.f32 v8, v8;
	v6 =	vadd.f32 v10, v7  }
0x5a: {  	s7 =	sadd.s32 $0x80, s7;
	v7 =	vmul.f32 v11, v11;
	v10 =	vld [tilespmem:s6+$0xFFFFFFB0];
	v13 =	vmul.f32 v5, v5  }
0x5b: {  	v5 =	vmul.f32 v9, v9;
	v14 =	vld [tilespmem:s6+$0xFFFFFFC0];
	v15 =	vmul.f32 v4, v4;
	[tilespmem:s7+$0x30] =	vst v6  }
0x5c: {  	v4 =	vmul.f32 v8, v8;
	v16 =	vld [tilespmem:s6+$0xFFFFFFD0];
	v18 =	vmul.f32 v3, v3  }
0x5d: {  	v3 =	vmul.f32 v13, v13;
	v19 =	vshll.u32 v12, $0x2;
	v17 =	vmul.f32 v15, v15;
	v20 =	vld [tilespmem:s6+$0xFFFFFFE0]  }
0x5e: {  	v7 =	vmul.f32 v7, v11;
	v21 =	vld [tilespmem:s6+$0xFFFFFF80];
	v12 =	vshll.u32 v2, $0x2;
	v2 =	vmul.f32 v18, v18  }
0x5f: {  	v6 =	vmul.f32 v5, v9;
	v5 =	vmul.f32 v4, v8;
	v22 =	vld [tilespmem:s6+$0x0];
	v10 =	vshll.u32 v10, $0x2  }
0x60: {  	v4 =	vmul.f32 v3, v13;
	v3 =	vmul.f32 v17, v15;
	v23 =	vld [tilespmem:s6+$0x10];
	v11 =	vshll.u32 v14, $0x2  }
.Ltmp2:
0x61: {  	v2 =	vmul.f32 v2, v18;
	v17 =	vld [tilespmem:s6+$0x20];
	v9 =	vshll.u32 v16, $0x2;
	(pc) =	sbr.rel @p1 .LBB2_2-.Ltmp2, $4  }
0x62: {  	v16 =	vld [tilespmem:s6+$0x30];
	v8 =	vshll.u32 v20, $0x2  }
0x63: {  	v13 =	vshll.u32 v21, $0x2;
	v15 =	vld [tilespmem:s6+$0x40]  }
0x64: {  	v14 =	vadd.s32 v22, v13;
	v13 =	vld [tilespmem:s6+$0x50]  }
0x65: {  	s9 =	sadd.s32 $0x80, s9;
	v18 =	vperm.xlane v0, v14;
	v19 =	vadd.s32 v23, v19;
	v14 =	vld [tilespmem:s6+$0x60]  }
0x66: {  	v19 =	vperm.xlane v0, v19;
	v12 =	vadd.s32 v17, v12  }
0x67: {  	v1 =	vadd.f32 v1, v18;
	v12 =	vperm.xlane v0, v12;
	v10 =	vadd.s32 v16, v10  }
0x68: {  	v7 =	vadd.f32 v7, v19;
	v10 =	vperm.xlane v0, v10;
	v11 =	vadd.s32 v15, v11  }
0x69: {  	[tilespmem:s7+$0xFFFFFFC0] =	vst v1;
	v1 =	vadd.f32 v6, v12;
	v6 =	vperm.xlane v0, v11;
	v9 =	vadd.s32 v13, v9  }
0x6a: {  	[tilespmem:s7+$0xFFFFFFD0] =	vst v7;
	v5 =	vadd.f32 v5, v10;
	v7 =	vperm.xlane v0, v9;
	v8 =	vadd.s32 v14, v8  }
0x6b: {  	[tilespmem:s7+$0xFFFFFFE0] =	vst v1;
	v1 =	vadd.f32 v4, v6;
	v4 =	vperm.xlane v0, v8  }
0x6c: {  	[tilespmem:s7+$0xFFFFFFF0] =	vst v5;
	v3 =	vadd.f32 v3, v7  }
0x6d: {  	[tilespmem:s7+$0x0] =	vst v1;
	v1 =	vadd.f32 v2, v4  }
0x6e: {  	[tilespmem:s7+$0x10] =	vst v3  }
0x6f: {  	[tilespmem:s7+$0x20] =	vst v1  }
0x70: {  	s6 =	rddreg [dreg:$0x9]  }
0x71: {  	[hbm4b:s6+s21] =	stream.linear.scatter [tilespmem:s17], [sflag:$0x5], $0x2080, $0x38;
	[tilespmem:$0x10680] =	vst v63  }
0x72: {  	s7 =	rddreg [dreg:$0xa]  }
0x73: {  	[tilespmem:s28], [sflag:$0x1] =	stream.linear.gather [hbm4b:s7+s21], $0x4100, $0x38;
	[tilespmem:$0x10680] =	vst v63  }
0x74: {  	s8 =	rddreg [dreg:$0xb]  }
0x75: {  	[tilespmem:s29], [sflag:$0x3] =	stream.linear.gather [hbm4b:s8+s21], $0x2080, $0x38;
	[tilespmem:$0x10680] =	vst v63  }
0x76: {  	_ =	swait.ge [sflag:s22], $0x4100  }
0x77: {  	[sflag:s22] =	ssyncset.done $0x0  }
0x78: {  	[sflag:s22] =	ssyncadd.s32 $0xFFFFBF00  }
0x79: {  	_ =	swait.ge [sflag:s23], $0x2080  }
0x7a: {  	[sflag:s23] =	ssyncset.done $0x0  }
0x7b: {  	s9 =	simm.s32 $0xA340;
	[sflag:s23] =	ssyncadd.s32 $0xFFFFDF80  }
0x7c: {  	v1 =	vld [tilespmem:s9+$0x30]  }
0x7d: {  	s6 =	simm.s32 $0x4200;
	v2 =	vld [tilespmem:s9+$0xFFFFFFC0]  }
0x7e: {  	v3 =	vld [tilespmem:s6+$0xFFFFFFF0]  }
0x7f: {  	v5 =	vld [tilespmem:s9+$0xFFFFFFD0]  }
0x80: {  	v6 =	vld [tilespmem:s9+$0xFFFFFFE0]  }
0x81: {  	v8 =	vld [tilespmem:s9+$0x0]  }
0x82: {  	v10 =	vld [tilespmem:s9+$0x10]  }
0x83: {  	v11 =	vld [tilespmem:s9+$0x20]  }
0x84: {  	v4 =	vld [tilespmem:s6+$0x70]  }
0x85: {  	v1 =	vmul.f32 v1, v1  }
0x86: {  	v7 =	vld [tilespmem:s9+$0xFFFFFFF0];
	v2 =	vmul.f32 v2, v2;
	v5 =	vmul.f32 v5, v5  }
0x87: {  	v13 =	vld [tilespmem:s6+$0xFFFFFFA0];
	v6 =	vmul.f32 v6, v6;
	v8 =	vmul.f32 v8, v8  }
0x88: {  	v14 =	vld [tilespmem:s6+$0xFFFFFFC0];
	v3 =	vshll.u32 v3, $0x2;
	v10 =	vmul.f32 v10, v10;
	v11 =	vmul.f32 v11, v11  }
0x89: {  	v18 =	vld [tilespmem:s6+$0xFFFFFFD0];
	v3 =	vadd.s32 v4, v3;
	v9 =	vmul.f32 v1, v1;
	v12 =	vmul.f32 v2, v2  }
0x8a: {  	v19 =	vld [tilespmem:s6+$0xFFFFFFE0];
	v3 =	vperm.xlane v0, v3;
	v15 =	vmul.f32 v6, v6  }
0x8b: {  	v20 =	vld [tilespmem:s6+$0xFFFFFF80];
	v17 =	vmul.f32 v8, v8;
	v24 =	vmul.f32 v11, v11  }
0x8c: {  	v4 =	vmul.f32 v9, v1;
	v9 =	vld [tilespmem:s6+$0xFFFFFF90];
	v1 =	vmul.f32 v12, v2  }
0x8d: {  	v2 =	vld [tilespmem:s6+$0xFFFFFFB0];
	v12 =	vmul.f32 v7, v7;
	v7 =	vmul.f32 v5, v5  }
0x8e: {  	v21 =	vld [tilespmem:s6+$0x0];
	v6 =	vmul.f32 v15, v6;
	v15 =	vmul.f32 v10, v10  }
0x8f: {  	v22 =	vld [tilespmem:s6+$0x10];
	v16 =	vmul.f32 v12, v12;
	v7 =	vmul.f32 v7, v5  }
0x90: {  	v23 =	vadd.f32 v4, v3;
	v4 =	vmul.f32 v17, v8;
	v17 =	vld [tilespmem:s6+$0x20];
	v3 =	vmul.f32 v15, v10  }
0x91: {  	v8 =	vshll.u32 v20, $0x2;
	v5 =	vmul.f32 v16, v12;
	v12 =	vshll.u32 v13, $0x2;
	v16 =	vld [tilespmem:s6+$0x30]  }
0x92: {  	v15 =	vld [tilespmem:s6+$0x40];
	v25 =	vshll.u32 v9, $0x2;
	v10 =	vshll.u32 v2, $0x2;
	v2 =	vmul.f32 v24, v11  }
0x93: {  	s7 =	simm.s32 $0xE440;
	v13 =	vld [tilespmem:s6+$0x50];
	v11 =	vshll.u32 v14, $0x2;
	v9 =	vshll.u32 v18, $0x2;
	v14 =	vadd.s32 v21, v8  }
0x94: {  	s8 =	simm.s32 $0x0;
	s9 =	simm.s32 $0xA3C0;
	[tilespmem:s7+$0x30] =	vst v23;
	v8 =	vshll.u32 v19, $0x2;
	v18 =	vperm.xlane v0, v14;
	v19 =	vadd.s32 v22, v25;
	v14 =	vld [tilespmem:s6+$0x60]  }
.LBB2_4:
0x95: {  	v20 =	vld [tilespmem:s9+$0x30];
	s8 =	sadd.s32 $0x8, s8;
	v19 =	vperm.xlane v0, v19;
	v12 =	vadd.s32 v17, v12  }
0x96: {  	s6 =	sadd.s32 $0x100, s6;
	v17 =	vld [tilespmem:s9+$0xFFFFFFC0];
	p1 =	slt.u32 s8, $0x200;
	v1 =	vadd.f32 v1, v18;
	v12 =	vperm.xlane v0, v12;
	v10 =	vadd.s32 v16, v10  }
0x97: {  	v16 =	vld [tilespmem:s6+$0xFFFFFFF0];
	v7 =	vadd.f32 v7, v19;
	v10 =	vperm.xlane v0, v10;
	v11 =	vadd.s32 v15, v11  }
0x98: {  	v15 =	vld [tilespmem:s6+$0x70];
	[tilespmem:s7+$0xFFFFFFC0] =	vst v1;
	v1 =	vadd.f32 v6, v12;
	v6 =	vperm.xlane v0, v11;
	v9 =	vadd.s32 v13, v9  }
0x99: {  	v11 =	vld [tilespmem:s9+$0xFFFFFFD0];
	[tilespmem:s7+$0xFFFFFFD0] =	vst v7;
	v5 =	vadd.f32 v5, v10;
	v7 =	vperm.xlane v0, v9;
	v8 =	vadd.s32 v14, v8  }
0x9a: {  	v9 =	vld [tilespmem:s9+$0xFFFFFFE0];
	v10 =	vmul.f32 v20, v20;
	[tilespmem:s7+$0xFFFFFFE0] =	vst v1;
	v1 =	vadd.f32 v4, v6;
	v4 =	vperm.xlane v0, v8  }
0x9b: {  	v6 =	vmul.f32 v17, v17;
	v8 =	vld [tilespmem:s9+$0xFFFFFFF0];
	[tilespmem:s7+$0xFFFFFFF0] =	vst v5;
	v3 =	vadd.f32 v3, v7  }
0x9c: {  	v5 =	vld [tilespmem:s9+$0x0];
	v7 =	vshll.u32 v16, $0x2;
	v12 =	vmul.f32 v10, v10;
	[tilespmem:s7+$0x0] =	vst v1;
	v1 =	vadd.f32 v2, v4  }
0x9d: {  	v2 =	vmul.f32 v6, v6;
	v4 =	vld [tilespmem:s9+$0x10];
	v7 =	vadd.s32 v15, v7;
	[tilespmem:s7+$0x10] =	vst v3  }
0x9e: {  	v3 =	vld [tilespmem:s9+$0x20];
	v10 =	vmul.f32 v12, v10;
	v7 =	vperm.xlane v0, v7;
	[tilespmem:s7+$0x20] =	vst v1  }
0x9f: {  	v11 =	vmul.f32 v11, v11;
	v12 =	vld [tilespmem:s6+$0xFFFFFF90];
	v9 =	vmul.f32 v9, v9  }
0xa0: {  	v1 =	vmul.f32 v2, v6;
	v2 =	vld [tilespmem:s6+$0xFFFFFFA0];
	v8 =	vmul.f32 v8, v8;
	v6 =	vadd.f32 v10, v7  }
0xa1: {  	s7 =	sadd.s32 $0x80, s7;
	v7 =	vmul.f32 v11, v11;
	v10 =	vld [tilespmem:s6+$0xFFFFFFB0];
	v13 =	vmul.f32 v5, v5  }
0xa2: {  	v5 =	vmul.f32 v9, v9;
	v14 =	vld [tilespmem:s6+$0xFFFFFFC0];
	v15 =	vmul.f32 v4, v4;
	[tilespmem:s7+$0x30] =	vst v6  }
0xa3: {  	v4 =	vmul.f32 v8, v8;
	v16 =	vld [tilespmem:s6+$0xFFFFFFD0];
	v18 =	vmul.f32 v3, v3  }
0xa4: {  	v3 =	vmul.f32 v13, v13;
	v19 =	vshll.u32 v12, $0x2;
	v17 =	vmul.f32 v15, v15;
	v20 =	vld [tilespmem:s6+$0xFFFFFFE0]  }
0xa5: {  	v7 =	vmul.f32 v7, v11;
	v21 =	vld [tilespmem:s6+$0xFFFFFF80];
	v12 =	vshll.u32 v2, $0x2;
	v2 =	vmul.f32 v18, v18  }
0xa6: {  	v6 =	vmul.f32 v5, v9;
	v5 =	vmul.f32 v4, v8;
	v22 =	vld [tilespmem:s6+$0x0];
	v10 =	vshll.u32 v10, $0x2  }
0xa7: {  	v4 =	vmul.f32 v3, v13;
	v3 =	vmul.f32 v17, v15;
	v23 =	vld [tilespmem:s6+$0x10];
	v11 =	vshll.u32 v14, $0x2  }
.Ltmp3:
0xa8: {  	v2 =	vmul.f32 v2, v18;
	v17 =	vld [tilespmem:s6+$0x20];
	v9 =	vshll.u32 v16, $0x2;
	(pc) =	sbr.rel @p1 .LBB2_4-.Ltmp3, $4  }
0xa9: {  	v16 =	vld [tilespmem:s6+$0x30];
	v8 =	vshll.u32 v20, $0x2  }
0xaa: {  	v13 =	vshll.u32 v21, $0x2;
	v15 =	vld [tilespmem:s6+$0x40]  }
0xab: {  	v14 =	vadd.s32 v22, v13;
	v13 =	vld [tilespmem:s6+$0x50]  }
0xac: {  	s9 =	sadd.s32 $0x80, s9;
	v18 =	vperm.xlane v0, v14;
	v19 =	vadd.s32 v23, v19;
	v14 =	vld [tilespmem:s6+$0x60]  }
0xad: {  	v19 =	vperm.xlane v0, v19;
	v12 =	vadd.s32 v17, v12  }
0xae: {  	v1 =	vadd.f32 v1, v18;
	v12 =	vperm.xlane v0, v12;
	v10 =	vadd.s32 v16, v10  }
0xaf: {  	v7 =	vadd.f32 v7, v19;
	v10 =	vperm.xlane v0, v10;
	v11 =	vadd.s32 v15, v11  }
0xb0: {  	[tilespmem:s7+$0xFFFFFFC0] =	vst v1;
	v1 =	vadd.f32 v6, v12;
	v6 =	vperm.xlane v0, v11;
	v9 =	vadd.s32 v13, v9  }
0xb1: {  	[tilespmem:s7+$0xFFFFFFD0] =	vst v7;
	v5 =	vadd.f32 v5, v10;
	v7 =	vperm.xlane v0, v9;
	v8 =	vadd.s32 v14, v8  }
0xb2: {  	[tilespmem:s7+$0xFFFFFFE0] =	vst v1;
	v1 =	vadd.f32 v4, v6;
	v4 =	vperm.xlane v0, v8  }
0xb3: {  	[tilespmem:s7+$0xFFFFFFF0] =	vst v5;
	v3 =	vadd.f32 v3, v7  }
0xb4: {  	[tilespmem:s7+$0x0] =	vst v1;
	v1 =	vadd.f32 v2, v4  }
0xb5: {  	[tilespmem:s7+$0x10] =	vst v3  }
0xb6: {  	[tilespmem:s7+$0x20] =	vst v1  }
0xb7: {  	s6 =	rddreg [dreg:$0xc]  }
0xb8: {  	[hbm4b:s6+s21] =	stream.linear.scatter [tilespmem:s2], [sflag:$0x6], $0x2080, $0x38;
	[tilespmem:$0x10680] =	vst v63  }
0xb9: {  	_ = 	snop  }
0xba: {  	[tilespmem:s30], [sflag:$0x2] =	stream.linear.gather [hbm4b:s10+s21], $0x4100, $0x38;
	[tilespmem:$0x10680] =	vst v63  }
0xbb: {  	_ = 	snop  }
0xbc: {  	[tilespmem:s31], [sflag:$0x4] =	stream.linear.gather [hbm4b:s11+s21], $0x2080, $0x38;
	[tilespmem:$0x10680] =	vst v63  }
0xbd: {  	_ =	swait.ge [sflag:s1], $0x4100  }
0xbe: {  	[sflag:s1] =	ssyncset.done $0x0  }
0xbf: {  	[sflag:s1] =	ssyncadd.s32 $0xFFFFBF00  }
0xc0: {  	_ =	swait.ge [sflag:s0], $0x2080  }
0xc1: {  	[sflag:s0] =	ssyncset.done $0x0  }
0xc2: {  	[sflag:s0] =	ssyncadd.s32 $0xFFFFDF80  }
0xc3: {  	_ =	swait.ge [sflag:s3], $0x2080  }
0xc4: {  	[sflag:s3] =	ssyncset.done $0x0  }
0xc5: {  	s9 =	simm.s32 $0x82C0;
	[sflag:s3] =	ssyncadd.s32 $0xFFFFDF80  }
0xc6: {  	v1 =	vld [tilespmem:s9+$0x30]  }
0xc7: {  	s6 =	simm.s32 $0x100;
	v2 =	vld [tilespmem:s9+$0xFFFFFFC0]  }
0xc8: {  	v3 =	vld [tilespmem:s6+$0xFFFFFFF0]  }
0xc9: {  	v5 =	vld [tilespmem:s9+$0xFFFFFFD0]  }
0xca: {  	v6 =	vld [tilespmem:s9+$0xFFFFFFE0]  }
0xcb: {  	v8 =	vld [tilespmem:s9+$0x0]  }
0xcc: {  	v10 =	vld [tilespmem:s9+$0x10]  }
0xcd: {  	v11 =	vld [tilespmem:s9+$0x20]  }
0xce: {  	v4 =	vld [tilespmem:s6+$0x70]  }
0xcf: {  	v1 =	vmul.f32 v1, v1  }
0xd0: {  	v7 =	vld [tilespmem:s9+$0xFFFFFFF0];
	v2 =	vmul.f32 v2, v2;
	v5 =	vmul.f32 v5, v5  }
0xd1: {  	v13 =	vld [tilespmem:s6+$0xFFFFFFA0];
	v6 =	vmul.f32 v6, v6;
	v8 =	vmul.f32 v8, v8  }
0xd2: {  	v14 =	vld [tilespmem:s6+$0xFFFFFFC0];
	v3 =	vshll.u32 v3, $0x2;
	v10 =	vmul.f32 v10, v10;
	v11 =	vmul.f32 v11, v11  }
0xd3: {  	v18 =	vld [tilespmem:s6+$0xFFFFFFD0];
	v3 =	vadd.s32 v4, v3;
	v9 =	vmul.f32 v1, v1;
	v12 =	vmul.f32 v2, v2  }
0xd4: {  	v19 =	vld [tilespmem:s6+$0xFFFFFFE0];
	v3 =	vperm.xlane v0, v3;
	v15 =	vmul.f32 v6, v6  }
0xd5: {  	v20 =	vld [tilespmem:s6+$0xFFFFFF80];
	v17 =	vmul.f32 v8, v8;
	v24 =	vmul.f32 v11, v11  }
0xd6: {  	v4 =	vmul.f32 v9, v1;
	v9 =	vld [tilespmem:s6+$0xFFFFFF90];
	v1 =	vmul.f32 v12, v2  }
0xd7: {  	v2 =	vld [tilespmem:s6+$0xFFFFFFB0];
	v12 =	vmul.f32 v7, v7;
	v7 =	vmul.f32 v5, v5  }
0xd8: {  	v21 =	vld [tilespmem:s6+$0x0];
	v6 =	vmul.f32 v15, v6;
	v15 =	vmul.f32 v10, v10  }
0xd9: {  	v22 =	vld [tilespmem:s6+$0x10];
	v16 =	vmul.f32 v12, v12;
	v7 =	vmul.f32 v7, v5  }
0xda: {  	v23 =	vadd.f32 v4, v3;
	v4 =	vmul.f32 v17, v8;
	v17 =	vld [tilespmem:s6+$0x20];
	v3 =	vmul.f32 v15, v10  }
0xdb: {  	v8 =	vshll.u32 v20, $0x2;
	v5 =	vmul.f32 v16, v12;
	v12 =	vshll.u32 v13, $0x2;
	v16 =	vld [tilespmem:s6+$0x30]  }
0xdc: {  	v15 =	vld [tilespmem:s6+$0x40];
	v25 =	vshll.u32 v9, $0x2;
	v10 =	vshll.u32 v2, $0x2;
	v2 =	vmul.f32 v24, v11  }
0xdd: {  	s7 =	simm.s32 $0xC3C0;
	v13 =	vld [tilespmem:s6+$0x50];
	v11 =	vshll.u32 v14, $0x2;
	v9 =	vshll.u32 v18, $0x2;
	v14 =	vadd.s32 v21, v8  }
0xde: {  	s8 =	simm.s32 $0x0;
	s9 =	simm.s32 $0x8340;
	[tilespmem:s7+$0x30] =	vst v23;
	v8 =	vshll.u32 v19, $0x2;
	v18 =	vperm.xlane v0, v14;
	v19 =	vadd.s32 v22, v25;
	v14 =	vld [tilespmem:s6+$0x60]  }
.LBB2_6:
0xdf: {  	v20 =	vld [tilespmem:s9+$0x30];
	s8 =	sadd.s32 $0x8, s8;
	v19 =	vperm.xlane v0, v19;
	v12 =	vadd.s32 v17, v12  }
0xe0: {  	s6 =	sadd.s32 $0x100, s6;
	v17 =	vld [tilespmem:s9+$0xFFFFFFC0];
	p1 =	slt.u32 s8, $0x200;
	v1 =	vadd.f32 v1, v18;
	v12 =	vperm.xlane v0, v12;
	v10 =	vadd.s32 v16, v10  }
0xe1: {  	v16 =	vld [tilespmem:s6+$0xFFFFFFF0];
	v7 =	vadd.f32 v7, v19;
	v10 =	vperm.xlane v0, v10;
	v11 =	vadd.s32 v15, v11  }
0xe2: {  	v15 =	vld [tilespmem:s6+$0x70];
	[tilespmem:s7+$0xFFFFFFC0] =	vst v1;
	v1 =	vadd.f32 v6, v12;
	v6 =	vperm.xlane v0, v11;
	v9 =	vadd.s32 v13, v9  }
0xe3: {  	v11 =	vld [tilespmem:s9+$0xFFFFFFD0];
	[tilespmem:s7+$0xFFFFFFD0] =	vst v7;
	v5 =	vadd.f32 v5, v10;
	v7 =	vperm.xlane v0, v9;
	v8 =	vadd.s32 v14, v8  }
0xe4: {  	v9 =	vld [tilespmem:s9+$0xFFFFFFE0];
	v10 =	vmul.f32 v20, v20;
	[tilespmem:s7+$0xFFFFFFE0] =	vst v1;
	v1 =	vadd.f32 v4, v6;
	v4 =	vperm.xlane v0, v8  }
0xe5: {  	v6 =	vmul.f32 v17, v17;
	v8 =	vld [tilespmem:s9+$0xFFFFFFF0];
	[tilespmem:s7+$0xFFFFFFF0] =	vst v5;
	v3 =	vadd.f32 v3, v7  }
0xe6: {  	v5 =	vld [tilespmem:s9+$0x0];
	v7 =	vshll.u32 v16, $0x2;
	v12 =	vmul.f32 v10, v10;
	[tilespmem:s7+$0x0] =	vst v1;
	v1 =	vadd.f32 v2, v4  }
0xe7: {  	v2 =	vmul.f32 v6, v6;
	v4 =	vld [tilespmem:s9+$0x10];
	v7 =	vadd.s32 v15, v7;
	[tilespmem:s7+$0x10] =	vst v3  }
0xe8: {  	v3 =	vld [tilespmem:s9+$0x20];
	v10 =	vmul.f32 v12, v10;
	v7 =	vperm.xlane v0, v7;
	[tilespmem:s7+$0x20] =	vst v1  }
0xe9: {  	v11 =	vmul.f32 v11, v11;
	v12 =	vld [tilespmem:s6+$0xFFFFFF90];
	v9 =	vmul.f32 v9, v9  }
0xea: {  	v1 =	vmul.f32 v2, v6;
	v2 =	vld [tilespmem:s6+$0xFFFFFFA0];
	v8 =	vmul.f32 v8, v8;
	v6 =	vadd.f32 v10, v7  }
0xeb: {  	s7 =	sadd.s32 $0x80, s7;
	v7 =	vmul.f32 v11, v11;
	v10 =	vld [tilespmem:s6+$0xFFFFFFB0];
	v13 =	vmul.f32 v5, v5  }
0xec: {  	v5 =	vmul.f32 v9, v9;
	v14 =	vld [tilespmem:s6+$0xFFFFFFC0];
	v15 =	vmul.f32 v4, v4;
	[tilespmem:s7+$0x30] =	vst v6  }
0xed: {  	v4 =	vmul.f32 v8, v8;
	v16 =	vld [tilespmem:s6+$0xFFFFFFD0];
	v18 =	vmul.f32 v3, v3  }
0xee: {  	v3 =	vmul.f32 v13, v13;
	v19 =	vshll.u32 v12, $0x2;
	v17 =	vmul.f32 v15, v15;
	v20 =	vld [tilespmem:s6+$0xFFFFFFE0]  }
0xef: {  	v7 =	vmul.f32 v7, v11;
	v21 =	vld [tilespmem:s6+$0xFFFFFF80];
	v12 =	vshll.u32 v2, $0x2;
	v2 =	vmul.f32 v18, v18  }
0xf0: {  	v6 =	vmul.f32 v5, v9;
	v5 =	vmul.f32 v4, v8;
	v22 =	vld [tilespmem:s6+$0x0];
	v10 =	vshll.u32 v10, $0x2  }
0xf1: {  	v4 =	vmul.f32 v3, v13;
	v3 =	vmul.f32 v17, v15;
	v23 =	vld [tilespmem:s6+$0x10];
	v11 =	vshll.u32 v14, $0x2  }
.Ltmp4:
0xf2: {  	v2 =	vmul.f32 v2, v18;
	v17 =	vld [tilespmem:s6+$0x20];
	v9 =	vshll.u32 v16, $0x2;
	(pc) =	sbr.rel @p1 .LBB2_6-.Ltmp4, $4  }
0xf3: {  	v16 =	vld [tilespmem:s6+$0x30];
	v8 =	vshll.u32 v20, $0x2  }
0xf4: {  	v13 =	vshll.u32 v21, $0x2;
	v15 =	vld [tilespmem:s6+$0x40]  }
0xf5: {  	v14 =	vadd.s32 v22, v13;
	v13 =	vld [tilespmem:s6+$0x50]  }
0xf6: {  	s9 =	sadd.s32 $0x80, s9;
	v18 =	vperm.xlane v0, v14;
	v19 =	vadd.s32 v23, v19;
	v14 =	vld [tilespmem:s6+$0x60]  }
0xf7: {  	v19 =	vperm.xlane v0, v19;
	v12 =	vadd.s32 v17, v12  }
0xf8: {  	v1 =	vadd.f32 v1, v18;
	v12 =	vperm.xlane v0, v12;
	v10 =	vadd.s32 v16, v10  }
0xf9: {  	v7 =	vadd.f32 v7, v19;
	v10 =	vperm.xlane v0, v10;
	v11 =	vadd.s32 v15, v11  }
0xfa: {  	[tilespmem:s7+$0xFFFFFFC0] =	vst v1;
	v1 =	vadd.f32 v6, v12;
	v6 =	vperm.xlane v0, v11;
	v9 =	vadd.s32 v13, v9  }
0xfb: {  	[tilespmem:s7+$0xFFFFFFD0] =	vst v7;
	v5 =	vadd.f32 v5, v10;
	v7 =	vperm.xlane v0, v9;
	v8 =	vadd.s32 v14, v8  }
0xfc: {  	[tilespmem:s7+$0xFFFFFFE0] =	vst v1;
	v1 =	vadd.f32 v4, v6;
	v4 =	vperm.xlane v0, v8  }
0xfd: {  	[tilespmem:s7+$0xFFFFFFF0] =	vst v5;
	v3 =	vadd.f32 v3, v7  }
0xfe: {  	[tilespmem:s7+$0x0] =	vst v1;
	v1 =	vadd.f32 v2, v4  }
0xff: {  	[tilespmem:s7+$0x10] =	vst v3  }
0x100: {  	[tilespmem:s7+$0x20] =	vst v1  }
0x101: {  	[hbm4b:s12+s21] =	stream.linear.scatter [tilespmem:s17], [sflag:$0x5], $0x2080, $0x38;
	[tilespmem:$0x10680] =	vst v63  }
0x102: {  	_ = 	snop  }
0x103: {  	[tilespmem:s28], [sflag:$0x1] =	stream.linear.gather [hbm4b:s13+s21], $0x4100, $0x38;
	[tilespmem:$0x10680] =	vst v63  }
0x104: {  	_ = 	snop  }
0x105: {  	[tilespmem:s29], [sflag:$0x3] =	stream.linear.gather [hbm4b:s14+s21], $0x2080, $0x38;
	[tilespmem:$0x10680] =	vst v63  }
0x106: {  	_ =	swait.ge [sflag:s22], $0x4100  }
0x107: {  	[sflag:s22] =	ssyncset.done $0x0  }
0x108: {  	[sflag:s22] =	ssyncadd.s32 $0xFFFFBF00  }
0x109: {  	_ =	swait.ge [sflag:s23], $0x2080  }
0x10a: {  	[sflag:s23] =	ssyncset.done $0x0  }
0x10b: {  	[sflag:s23] =	ssyncadd.s32 $0xFFFFDF80  }
0x10c: {  	_ =	swait.ge [sflag:s4], $0x2080  }
0x10d: {  	[sflag:s4] =	ssyncset.done $0x0  }
0x10e: {  	s9 =	simm.s32 $0xA340;
	[sflag:s4] =	ssyncadd.s32 $0xFFFFDF80  }
0x10f: {  	v1 =	vld [tilespmem:s9+$0x30]  }
0x110: {  	s6 =	simm.s32 $0x4200;
	v2 =	vld [tilespmem:s9+$0xFFFFFFC0]  }
0x111: {  	v3 =	vld [tilespmem:s6+$0xFFFFFFF0]  }
0x112: {  	v5 =	vld [tilespmem:s9+$0xFFFFFFD0]  }
0x113: {  	v6 =	vld [tilespmem:s9+$0xFFFFFFE0]  }
0x114: {  	v8 =	vld [tilespmem:s9+$0x0]  }
0x115: {  	v10 =	vld [tilespmem:s9+$0x10]  }
0x116: {  	v11 =	vld [tilespmem:s9+$0x20]  }
0x117: {  	v4 =	vld [tilespmem:s6+$0x70]  }
0x118: {  	v1 =	vmul.f32 v1, v1  }
0x119: {  	v7 =	vld [tilespmem:s9+$0xFFFFFFF0];
	v2 =	vmul.f32 v2, v2;
	v5 =	vmul.f32 v5, v5  }
0x11a: {  	v13 =	vld [tilespmem:s6+$0xFFFFFFA0];
	v6 =	vmul.f32 v6, v6;
	v8 =	vmul.f32 v8, v8  }
0x11b: {  	v14 =	vld [tilespmem:s6+$0xFFFFFFC0];
	v3 =	vshll.u32 v3, $0x2;
	v10 =	vmul.f32 v10, v10;
	v11 =	vmul.f32 v11, v11  }
0x11c: {  	v18 =	vld [tilespmem:s6+$0xFFFFFFD0];
	v3 =	vadd.s32 v4, v3;
	v9 =	vmul.f32 v1, v1;
	v12 =	vmul.f32 v2, v2  }
0x11d: {  	v19 =	vld [tilespmem:s6+$0xFFFFFFE0];
	v3 =	vperm.xlane v0, v3;
	v15 =	vmul.f32 v6, v6  }
0x11e: {  	v20 =	vld [tilespmem:s6+$0xFFFFFF80];
	v17 =	vmul.f32 v8, v8;
	v24 =	vmul.f32 v11, v11  }
0x11f: {  	v4 =	vmul.f32 v9, v1;
	v9 =	vld [tilespmem:s6+$0xFFFFFF90];
	v1 =	vmul.f32 v12, v2  }
0x120: {  	v2 =	vld [tilespmem:s6+$0xFFFFFFB0];
	v12 =	vmul.f32 v7, v7;
	v7 =	vmul.f32 v5, v5  }
0x121: {  	v21 =	vld [tilespmem:s6+$0x0];
	v6 =	vmul.f32 v15, v6;
	v15 =	vmul.f32 v10, v10  }
0x122: {  	v22 =	vld [tilespmem:s6+$0x10];
	v16 =	vmul.f32 v12, v12;
	v7 =	vmul.f32 v7, v5  }
0x123: {  	v23 =	vadd.f32 v4, v3;
	v4 =	vmul.f32 v17, v8;
	v17 =	vld [tilespmem:s6+$0x20];
	v3 =	vmul.f32 v15, v10  }
0x124: {  	v8 =	vshll.u32 v20, $0x2;
	v5 =	vmul.f32 v16, v12;
	v12 =	vshll.u32 v13, $0x2;
	v16 =	vld [tilespmem:s6+$0x30]  }
0x125: {  	v15 =	vld [tilespmem:s6+$0x40];
	v25 =	vshll.u32 v9, $0x2;
	v10 =	vshll.u32 v2, $0x2;
	v2 =	vmul.f32 v24, v11  }
0x126: {  	s7 =	simm.s32 $0xE440;
	v13 =	vld [tilespmem:s6+$0x50];
	v11 =	vshll.u32 v14, $0x2;
	v9 =	vshll.u32 v18, $0x2;
	v14 =	vadd.s32 v21, v8  }
0x127: {  	s8 =	simm.s32 $0x0;
	s9 =	simm.s32 $0xA3C0;
	[tilespmem:s7+$0x30] =	vst v23;
	v8 =	vshll.u32 v19, $0x2;
	v18 =	vperm.xlane v0, v14;
	v19 =	vadd.s32 v22, v25;
	v14 =	vld [tilespmem:s6+$0x60]  }
.LBB2_8:
0x128: {  	v20 =	vld [tilespmem:s9+$0x30];
	s8 =	sadd.s32 $0x8, s8;
	v19 =	vperm.xlane v0, v19;
	v12 =	vadd.s32 v17, v12  }
0x129: {  	s6 =	sadd.s32 $0x100, s6;
	v17 =	vld [tilespmem:s9+$0xFFFFFFC0];
	p1 =	slt.u32 s8, $0x200;
	v1 =	vadd.f32 v1, v18;
	v12 =	vperm.xlane v0, v12;
	v10 =	vadd.s32 v16, v10  }
0x12a: {  	v16 =	vld [tilespmem:s6+$0xFFFFFFF0];
	v7 =	vadd.f32 v7, v19;
	v10 =	vperm.xlane v0, v10;
	v11 =	vadd.s32 v15, v11  }
0x12b: {  	v15 =	vld [tilespmem:s6+$0x70];
	[tilespmem:s7+$0xFFFFFFC0] =	vst v1;
	v1 =	vadd.f32 v6, v12;
	v6 =	vperm.xlane v0, v11;
	v9 =	vadd.s32 v13, v9  }
0x12c: {  	v11 =	vld [tilespmem:s9+$0xFFFFFFD0];
	[tilespmem:s7+$0xFFFFFFD0] =	vst v7;
	v5 =	vadd.f32 v5, v10;
	v7 =	vperm.xlane v0, v9;
	v8 =	vadd.s32 v14, v8  }
0x12d: {  	v9 =	vld [tilespmem:s9+$0xFFFFFFE0];
	v10 =	vmul.f32 v20, v20;
	[tilespmem:s7+$0xFFFFFFE0] =	vst v1;
	v1 =	vadd.f32 v4, v6;
	v4 =	vperm.xlane v0, v8  }
0x12e: {  	v6 =	vmul.f32 v17, v17;
	v8 =	vld [tilespmem:s9+$0xFFFFFFF0];
	[tilespmem:s7+$0xFFFFFFF0] =	vst v5;
	v3 =	vadd.f32 v3, v7  }
0x12f: {  	v5 =	vld [tilespmem:s9+$0x0];
	v7 =	vshll.u32 v16, $0x2;
	v12 =	vmul.f32 v10, v10;
	[tilespmem:s7+$0x0] =	vst v1;
	v1 =	vadd.f32 v2, v4  }
0x130: {  	v2 =	vmul.f32 v6, v6;
	v4 =	vld [tilespmem:s9+$0x10];
	v7 =	vadd.s32 v15, v7;
	[tilespmem:s7+$0x10] =	vst v3  }
0x131: {  	v3 =	vld [tilespmem:s9+$0x20];
	v10 =	vmul.f32 v12, v10;
	v7 =	vperm.xlane v0, v7;
	[tilespmem:s7+$0x20] =	vst v1  }
0x132: {  	v11 =	vmul.f32 v11, v11;
	v12 =	vld [tilespmem:s6+$0xFFFFFF90];
	v9 =	vmul.f32 v9, v9  }
0x133: {  	v1 =	vmul.f32 v2, v6;
	v2 =	vld [tilespmem:s6+$0xFFFFFFA0];
	v8 =	vmul.f32 v8, v8;
	v6 =	vadd.f32 v10, v7  }
0x134: {  	s7 =	sadd.s32 $0x80, s7;
	v7 =	vmul.f32 v11, v11;
	v10 =	vld [tilespmem:s6+$0xFFFFFFB0];
	v13 =	vmul.f32 v5, v5  }
0x135: {  	v5 =	vmul.f32 v9, v9;
	v14 =	vld [tilespmem:s6+$0xFFFFFFC0];
	v15 =	vmul.f32 v4, v4;
	[tilespmem:s7+$0x30] =	vst v6  }
0x136: {  	v4 =	vmul.f32 v8, v8;
	v16 =	vld [tilespmem:s6+$0xFFFFFFD0];
	v18 =	vmul.f32 v3, v3  }
0x137: {  	v3 =	vmul.f32 v13, v13;
	v19 =	vshll.u32 v12, $0x2;
	v17 =	vmul.f32 v15, v15;
	v20 =	vld [tilespmem:s6+$0xFFFFFFE0]  }
0x138: {  	v7 =	vmul.f32 v7, v11;
	v21 =	vld [tilespmem:s6+$0xFFFFFF80];
	v12 =	vshll.u32 v2, $0x2;
	v2 =	vmul.f32 v18, v18  }
0x139: {  	v6 =	vmul.f32 v5, v9;
	v5 =	vmul.f32 v4, v8;
	v22 =	vld [tilespmem:s6+$0x0];
	v10 =	vshll.u32 v10, $0x2  }
0x13a: {  	v4 =	vmul.f32 v3, v13;
	v3 =	vmul.f32 v17, v15;
	v23 =	vld [tilespmem:s6+$0x10];
	v11 =	vshll.u32 v14, $0x2  }
.Ltmp5:
0x13b: {  	v2 =	vmul.f32 v2, v18;
	v17 =	vld [tilespmem:s6+$0x20];
	v9 =	vshll.u32 v16, $0x2;
	(pc) =	sbr.rel @p1 .LBB2_8-.Ltmp5, $4  }
0x13c: {  	v16 =	vld [tilespmem:s6+$0x30];
	v8 =	vshll.u32 v20, $0x2  }
0x13d: {  	v13 =	vshll.u32 v21, $0x2;
	v15 =	vld [tilespmem:s6+$0x40]  }
0x13e: {  	v14 =	vadd.s32 v22, v13;
	v13 =	vld [tilespmem:s6+$0x50]  }
0x13f: {  	s9 =	sadd.s32 $0x80, s9;
	v18 =	vperm.xlane v0, v14;
	v19 =	vadd.s32 v23, v19;
	v14 =	vld [tilespmem:s6+$0x60]  }
0x140: {  	v19 =	vperm.xlane v0, v19;
	v12 =	vadd.s32 v17, v12  }
0x141: {  	v1 =	vadd.f32 v1, v18;
	v12 =	vperm.xlane v0, v12;
	v10 =	vadd.s32 v16, v10  }
0x142: {  	v7 =	vadd.f32 v7, v19;
	v10 =	vperm.xlane v0, v10;
	v11 =	vadd.s32 v15, v11  }
0x143: {  	[tilespmem:s7+$0xFFFFFFC0] =	vst v1;
	v1 =	vadd.f32 v6, v12;
	v6 =	vperm.xlane v0, v11;
	v9 =	vadd.s32 v13, v9  }
0x144: {  	[tilespmem:s7+$0xFFFFFFD0] =	vst v7;
	v5 =	vadd.f32 v5, v10;
	v7 =	vperm.xlane v0, v9;
	v8 =	vadd.s32 v14, v8  }
0x145: {  	[tilespmem:s7+$0xFFFFFFE0] =	vst v1;
	v1 =	vadd.f32 v4, v6;
	v4 =	vperm.xlane v0, v8  }
0x146: {  	[tilespmem:s7+$0xFFFFFFF0] =	vst v5;
	v3 =	vadd.f32 v3, v7  }
0x147: {  	[tilespmem:s7+$0x0] =	vst v1;
	v1 =	vadd.f32 v2, v4  }
0x148: {  	[tilespmem:s7+$0x10] =	vst v3  }
0x149: {  	[tilespmem:s7+$0x20] =	vst v1  }
0x14a: {  	[hbm4b:s15+s21] =	stream.linear.scatter [tilespmem:s2], [sflag:$0x6], $0x2080, $0x38;
	[tilespmem:$0x10680] =	vst v63  }
0x14b: {  	_ = 	snop  }
0x14c: {  	[tilespmem:s30], [sflag:$0x2] =	stream.linear.gather [hbm4b:s16+s21], $0x4100, $0x38;
	[tilespmem:$0x10680] =	vst v63  }
0x14d: {  	_ = 	snop  }
0x14e: {  	[tilespmem:s31], [sflag:$0x4] =	stream.linear.gather [hbm4b:s18+s21], $0x2080, $0x38;
	[tilespmem:$0x10680] =	vst v63  }
0x14f: {  	_ =	swait.ge [sflag:s1], $0x4100  }
0x150: {  	[sflag:s1] =	ssyncset.done $0x0  }
0x151: {  	[sflag:s1] =	ssyncadd.s32 $0xFFFFBF00  }
0x152: {  	_ =	swait.ge [sflag:s0], $0x2080  }
0x153: {  	[sflag:s0] =	ssyncset.done $0x0  }
0x154: {  	[sflag:s0] =	ssyncadd.s32 $0xFFFFDF80  }
0x155: {  	_ =	swait.ge [sflag:s3], $0x2080  }
0x156: {  	[sflag:s3] =	ssyncset.done $0x0  }
0x157: {  	s9 =	simm.s32 $0x82C0;
	[sflag:s3] =	ssyncadd.s32 $0xFFFFDF80  }
0x158: {  	v1 =	vld [tilespmem:s9+$0x30]  }
0x159: {  	s6 =	simm.s32 $0x100;
	v2 =	vld [tilespmem:s9+$0xFFFFFFC0]  }
0x15a: {  	v3 =	vld [tilespmem:s6+$0xFFFFFFF0]  }
0x15b: {  	v5 =	vld [tilespmem:s9+$0xFFFFFFD0]  }
0x15c: {  	v6 =	vld [tilespmem:s9+$0xFFFFFFE0]  }
0x15d: {  	v8 =	vld [tilespmem:s9+$0x0]  }
0x15e: {  	v10 =	vld [tilespmem:s9+$0x10]  }
0x15f: {  	v11 =	vld [tilespmem:s9+$0x20]  }
0x160: {  	v4 =	vld [tilespmem:s6+$0x70]  }
0x161: {  	v1 =	vmul.f32 v1, v1  }
0x162: {  	v7 =	vld [tilespmem:s9+$0xFFFFFFF0];
	v2 =	vmul.f32 v2, v2;
	v5 =	vmul.f32 v5, v5  }
0x163: {  	v13 =	vld [tilespmem:s6+$0xFFFFFFA0];
	v6 =	vmul.f32 v6, v6;
	v8 =	vmul.f32 v8, v8  }
0x164: {  	v14 =	vld [tilespmem:s6+$0xFFFFFFC0];
	v3 =	vshll.u32 v3, $0x2;
	v10 =	vmul.f32 v10, v10;
	v11 =	vmul.f32 v11, v11  }
0x165: {  	v18 =	vld [tilespmem:s6+$0xFFFFFFD0];
	v3 =	vadd.s32 v4, v3;
	v9 =	vmul.f32 v1, v1;
	v12 =	vmul.f32 v2, v2  }
0x166: {  	v19 =	vld [tilespmem:s6+$0xFFFFFFE0];
	v3 =	vperm.xlane v0, v3;
	v15 =	vmul.f32 v6, v6  }
0x167: {  	v20 =	vld [tilespmem:s6+$0xFFFFFF80];
	v17 =	vmul.f32 v8, v8;
	v24 =	vmul.f32 v11, v11  }
0x168: {  	v4 =	vmul.f32 v9, v1;
	v9 =	vld [tilespmem:s6+$0xFFFFFF90];
	v1 =	vmul.f32 v12, v2  }
0x169: {  	v2 =	vld [tilespmem:s6+$0xFFFFFFB0];
	v12 =	vmul.f32 v7, v7;
	v7 =	vmul.f32 v5, v5  }
0x16a: {  	v21 =	vld [tilespmem:s6+$0x0];
	v6 =	vmul.f32 v15, v6;
	v15 =	vmul.f32 v10, v10  }
0x16b: {  	v22 =	vld [tilespmem:s6+$0x10];
	v16 =	vmul.f32 v12, v12;
	v7 =	vmul.f32 v7, v5  }
0x16c: {  	v23 =	vadd.f32 v4, v3;
	v4 =	vmul.f32 v17, v8;
	v17 =	vld [tilespmem:s6+$0x20];
	v3 =	vmul.f32 v15, v10  }
0x16d: {  	v8 =	vshll.u32 v20, $0x2;
	v5 =	vmul.f32 v16, v12;
	v12 =	vshll.u32 v13, $0x2;
	v16 =	vld [tilespmem:s6+$0x30]  }
0x16e: {  	v15 =	vld [tilespmem:s6+$0x40];
	v25 =	vshll.u32 v9, $0x2;
	v10 =	vshll.u32 v2, $0x2;
	v2 =	vmul.f32 v24, v11  }
0x16f: {  	s7 =	simm.s32 $0xC3C0;
	v13 =	vld [tilespmem:s6+$0x50];
	v11 =	vshll.u32 v14, $0x2;
	v9 =	vshll.u32 v18, $0x2;
	v14 =	vadd.s32 v21, v8  }
0x170: {  	s8 =	simm.s32 $0x0;
	s9 =	simm.s32 $0x8340;
	[tilespmem:s7+$0x30] =	vst v23;
	v8 =	vshll.u32 v19, $0x2;
	v18 =	vperm.xlane v0, v14;
	v19 =	vadd.s32 v22, v25;
	v14 =	vld [tilespmem:s6+$0x60]  }
.LBB2_10:
0x171: {  	v20 =	vld [tilespmem:s9+$0x30];
	s8 =	sadd.s32 $0x8, s8;
	v19 =	vperm.xlane v0, v19;
	v12 =	vadd.s32 v17, v12  }
0x172: {  	s6 =	sadd.s32 $0x100, s6;
	v17 =	vld [tilespmem:s9+$0xFFFFFFC0];
	p1 =	slt.u32 s8, $0x200;
	v1 =	vadd.f32 v1, v18;
	v12 =	vperm.xlane v0, v12;
	v10 =	vadd.s32 v16, v10  }
0x173: {  	v16 =	vld [tilespmem:s6+$0xFFFFFFF0];
	v7 =	vadd.f32 v7, v19;
	v10 =	vperm.xlane v0, v10;
	v11 =	vadd.s32 v15, v11  }
0x174: {  	v15 =	vld [tilespmem:s6+$0x70];
	[tilespmem:s7+$0xFFFFFFC0] =	vst v1;
	v1 =	vadd.f32 v6, v12;
	v6 =	vperm.xlane v0, v11;
	v9 =	vadd.s32 v13, v9  }
0x175: {  	v11 =	vld [tilespmem:s9+$0xFFFFFFD0];
	[tilespmem:s7+$0xFFFFFFD0] =	vst v7;
	v5 =	vadd.f32 v5, v10;
	v7 =	vperm.xlane v0, v9;
	v8 =	vadd.s32 v14, v8  }
0x176: {  	v9 =	vld [tilespmem:s9+$0xFFFFFFE0];
	v10 =	vmul.f32 v20, v20;
	[tilespmem:s7+$0xFFFFFFE0] =	vst v1;
	v1 =	vadd.f32 v4, v6;
	v4 =	vperm.xlane v0, v8  }
0x177: {  	v6 =	vmul.f32 v17, v17;
	v8 =	vld [tilespmem:s9+$0xFFFFFFF0];
	[tilespmem:s7+$0xFFFFFFF0] =	vst v5;
	v3 =	vadd.f32 v3, v7  }
0x178: {  	v5 =	vld [tilespmem:s9+$0x0];
	v7 =	vshll.u32 v16, $0x2;
	v12 =	vmul.f32 v10, v10;
	[tilespmem:s7+$0x0] =	vst v1;
	v1 =	vadd.f32 v2, v4  }
0x179: {  	v2 =	vmul.f32 v6, v6;
	v4 =	vld [tilespmem:s9+$0x10];
	v7 =	vadd.s32 v15, v7;
	[tilespmem:s7+$0x10] =	vst v3  }
0x17a: {  	v3 =	vld [tilespmem:s9+$0x20];
	v10 =	vmul.f32 v12, v10;
	v7 =	vperm.xlane v0, v7;
	[tilespmem:s7+$0x20] =	vst v1  }
0x17b: {  	v11 =	vmul.f32 v11, v11;
	v12 =	vld [tilespmem:s6+$0xFFFFFF90];
	v9 =	vmul.f32 v9, v9  }
0x17c: {  	v1 =	vmul.f32 v2, v6;
	v2 =	vld [tilespmem:s6+$0xFFFFFFA0];
	v8 =	vmul.f32 v8, v8;
	v6 =	vadd.f32 v10, v7  }
0x17d: {  	s7 =	sadd.s32 $0x80, s7;
	v7 =	vmul.f32 v11, v11;
	v10 =	vld [tilespmem:s6+$0xFFFFFFB0];
	v13 =	vmul.f32 v5, v5  }
0x17e: {  	v5 =	vmul.f32 v9, v9;
	v14 =	vld [tilespmem:s6+$0xFFFFFFC0];
	v15 =	vmul.f32 v4, v4;
	[tilespmem:s7+$0x30] =	vst v6  }
0x17f: {  	v4 =	vmul.f32 v8, v8;
	v16 =	vld [tilespmem:s6+$0xFFFFFFD0];
	v18 =	vmul.f32 v3, v3  }
0x180: {  	v3 =	vmul.f32 v13, v13;
	v19 =	vshll.u32 v12, $0x2;
	v17 =	vmul.f32 v15, v15;
	v20 =	vld [tilespmem:s6+$0xFFFFFFE0]  }
0x181: {  	v7 =	vmul.f32 v7, v11;
	v21 =	vld [tilespmem:s6+$0xFFFFFF80];
	v12 =	vshll.u32 v2, $0x2;
	v2 =	vmul.f32 v18, v18  }
0x182: {  	v6 =	vmul.f32 v5, v9;
	v5 =	vmul.f32 v4, v8;
	v22 =	vld [tilespmem:s6+$0x0];
	v10 =	vshll.u32 v10, $0x2  }
0x183: {  	v4 =	vmul.f32 v3, v13;
	v3 =	vmul.f32 v17, v15;
	v23 =	vld [tilespmem:s6+$0x10];
	v11 =	vshll.u32 v14, $0x2  }
.Ltmp6:
0x184: {  	v2 =	vmul.f32 v2, v18;
	v17 =	vld [tilespmem:s6+$0x20];
	v9 =	vshll.u32 v16, $0x2;
	(pc) =	sbr.rel @p1 .LBB2_10-.Ltmp6, $4  }
0x185: {  	v16 =	vld [tilespmem:s6+$0x30];
	v8 =	vshll.u32 v20, $0x2  }
0x186: {  	v13 =	vshll.u32 v21, $0x2;
	v15 =	vld [tilespmem:s6+$0x40]  }
0x187: {  	v14 =	vadd.s32 v22, v13;
	v13 =	vld [tilespmem:s6+$0x50]  }
0x188: {  	s9 =	sadd.s32 $0x80, s9;
	v18 =	vperm.xlane v0, v14;
	v19 =	vadd.s32 v23, v19;
	v14 =	vld [tilespmem:s6+$0x60]  }
0x189: {  	v19 =	vperm.xlane v0, v19;
	v12 =	vadd.s32 v17, v12  }
0x18a: {  	v1 =	vadd.f32 v1, v18;
	v12 =	vperm.xlane v0, v12;
	v10 =	vadd.s32 v16, v10  }
0x18b: {  	v7 =	vadd.f32 v7, v19;
	v10 =	vperm.xlane v0, v10;
	v11 =	vadd.s32 v15, v11  }
0x18c: {  	[tilespmem:s7+$0xFFFFFFC0] =	vst v1;
	v1 =	vadd.f32 v6, v12;
	v6 =	vperm.xlane v0, v11;
	v9 =	vadd.s32 v13, v9  }
0x18d: {  	[tilespmem:s7+$0xFFFFFFD0] =	vst v7;
	v5 =	vadd.f32 v5, v10;
	v7 =	vperm.xlane v0, v9;
	v8 =	vadd.s32 v14, v8  }
0x18e: {  	[tilespmem:s7+$0xFFFFFFE0] =	vst v1;
	v1 =	vadd.f32 v4, v6;
	v4 =	vperm.xlane v0, v8  }
0x18f: {  	[tilespmem:s7+$0xFFFFFFF0] =	vst v5;
	v3 =	vadd.f32 v3, v7  }
0x190: {  	[tilespmem:s7+$0x0] =	vst v1;
	v1 =	vadd.f32 v2, v4  }
0x191: {  	[tilespmem:s7+$0x10] =	vst v3  }
0x192: {  	[tilespmem:s7+$0x20] =	vst v1  }
0x193: {  	[hbm4b:s19+s21] =	stream.linear.scatter [tilespmem:s17], [sflag:$0x5], $0x2080, $0x38;
	[tilespmem:$0x10680] =	vst v63  }
0x194: {  	_ =	swait.ge [sflag:s22], $0x4100  }
0x195: {  	[sflag:s22] =	ssyncset.done $0x0  }
0x196: {  	[sflag:s22] =	ssyncadd.s32 $0xFFFFBF00  }
0x197: {  	_ =	swait.ge [sflag:s23], $0x2080  }
0x198: {  	[sflag:s23] =	ssyncset.done $0x0  }
0x199: {  	[sflag:s23] =	ssyncadd.s32 $0xFFFFDF80  }
0x19a: {  	_ =	swait.ge [sflag:s4], $0x2080  }
0x19b: {  	[sflag:s4] =	ssyncset.done $0x0  }
0x19c: {  	s9 =	simm.s32 $0xA340;
	[sflag:s4] =	ssyncadd.s32 $0xFFFFDF80  }
0x19d: {  	v1 =	vld [tilespmem:s9+$0x30]  }
0x19e: {  	s6 =	simm.s32 $0x4200;
	v2 =	vld [tilespmem:s9+$0xFFFFFFC0]  }
0x19f: {  	v3 =	vld [tilespmem:s6+$0xFFFFFFF0]  }
0x1a0: {  	v5 =	vld [tilespmem:s9+$0xFFFFFFD0]  }
0x1a1: {  	v6 =	vld [tilespmem:s9+$0xFFFFFFE0]  }
0x1a2: {  	v8 =	vld [tilespmem:s9+$0x0]  }
0x1a3: {  	v10 =	vld [tilespmem:s9+$0x10]  }
0x1a4: {  	v11 =	vld [tilespmem:s9+$0x20]  }
0x1a5: {  	v4 =	vld [tilespmem:s6+$0x70]  }
0x1a6: {  	v1 =	vmul.f32 v1, v1  }
0x1a7: {  	v7 =	vld [tilespmem:s9+$0xFFFFFFF0];
	v2 =	vmul.f32 v2, v2;
	v5 =	vmul.f32 v5, v5  }
0x1a8: {  	v13 =	vld [tilespmem:s6+$0xFFFFFFA0];
	v6 =	vmul.f32 v6, v6;
	v8 =	vmul.f32 v8, v8  }
0x1a9: {  	v14 =	vld [tilespmem:s6+$0xFFFFFFC0];
	v3 =	vshll.u32 v3, $0x2;
	v10 =	vmul.f32 v10, v10;
	v11 =	vmul.f32 v11, v11  }
0x1aa: {  	v18 =	vld [tilespmem:s6+$0xFFFFFFD0];
	v3 =	vadd.s32 v4, v3;
	v9 =	vmul.f32 v1, v1;
	v12 =	vmul.f32 v2, v2  }
0x1ab: {  	v19 =	vld [tilespmem:s6+$0xFFFFFFE0];
	v3 =	vperm.xlane v0, v3;
	v15 =	vmul.f32 v6, v6  }
0x1ac: {  	v20 =	vld [tilespmem:s6+$0xFFFFFF80];
	v17 =	vmul.f32 v8, v8;
	v24 =	vmul.f32 v11, v11  }
0x1ad: {  	v4 =	vmul.f32 v9, v1;
	v9 =	vld [tilespmem:s6+$0xFFFFFF90];
	v1 =	vmul.f32 v12, v2  }
0x1ae: {  	v2 =	vld [tilespmem:s6+$0xFFFFFFB0];
	v12 =	vmul.f32 v7, v7;
	v7 =	vmul.f32 v5, v5  }
0x1af: {  	v21 =	vld [tilespmem:s6+$0x0];
	v6 =	vmul.f32 v15, v6;
	v15 =	vmul.f32 v10, v10  }
0x1b0: {  	v22 =	vld [tilespmem:s6+$0x10];
	v16 =	vmul.f32 v12, v12;
	v7 =	vmul.f32 v7, v5  }
0x1b1: {  	v23 =	vadd.f32 v4, v3;
	v4 =	vmul.f32 v17, v8;
	v17 =	vld [tilespmem:s6+$0x20];
	v3 =	vmul.f32 v15, v10  }
0x1b2: {  	v8 =	vshll.u32 v20, $0x2;
	v5 =	vmul.f32 v16, v12;
	v12 =	vshll.u32 v13, $0x2;
	v16 =	vld [tilespmem:s6+$0x30]  }
0x1b3: {  	v15 =	vld [tilespmem:s6+$0x40];
	v25 =	vshll.u32 v9, $0x2;
	v10 =	vshll.u32 v2, $0x2;
	v2 =	vmul.f32 v24, v11  }
0x1b4: {  	s7 =	simm.s32 $0xE440;
	v13 =	vld [tilespmem:s6+$0x50];
	v11 =	vshll.u32 v14, $0x2;
	v9 =	vshll.u32 v18, $0x2;
	v14 =	vadd.s32 v21, v8  }
0x1b5: {  	s8 =	simm.s32 $0x0;
	s9 =	simm.s32 $0xA3C0;
	[tilespmem:s7+$0x30] =	vst v23;
	v8 =	vshll.u32 v19, $0x2;
	v18 =	vperm.xlane v0, v14;
	v19 =	vadd.s32 v22, v25;
	v14 =	vld [tilespmem:s6+$0x60]  }
.LBB2_12:
0x1b6: {  	v20 =	vld [tilespmem:s9+$0x30];
	s8 =	sadd.s32 $0x8, s8;
	v19 =	vperm.xlane v0, v19;
	v12 =	vadd.s32 v17, v12  }
0x1b7: {  	s6 =	sadd.s32 $0x100, s6;
	v17 =	vld [tilespmem:s9+$0xFFFFFFC0];
	p1 =	slt.u32 s8, $0x200;
	v1 =	vadd.f32 v1, v18;
	v12 =	vperm.xlane v0, v12;
	v10 =	vadd.s32 v16, v10  }
0x1b8: {  	v16 =	vld [tilespmem:s6+$0xFFFFFFF0];
	v7 =	vadd.f32 v7, v19;
	v10 =	vperm.xlane v0, v10;
	v11 =	vadd.s32 v15, v11  }
0x1b9: {  	v15 =	vld [tilespmem:s6+$0x70];
	[tilespmem:s7+$0xFFFFFFC0] =	vst v1;
	v1 =	vadd.f32 v6, v12;
	v6 =	vperm.xlane v0, v11;
	v9 =	vadd.s32 v13, v9  }
0x1ba: {  	v11 =	vld [tilespmem:s9+$0xFFFFFFD0];
	[tilespmem:s7+$0xFFFFFFD0] =	vst v7;
	v5 =	vadd.f32 v5, v10;
	v7 =	vperm.xlane v0, v9;
	v8 =	vadd.s32 v14, v8  }
0x1bb: {  	v9 =	vld [tilespmem:s9+$0xFFFFFFE0];
	v10 =	vmul.f32 v20, v20;
	[tilespmem:s7+$0xFFFFFFE0] =	vst v1;
	v1 =	vadd.f32 v4, v6;
	v4 =	vperm.xlane v0, v8  }
0x1bc: {  	v6 =	vmul.f32 v17, v17;
	v8 =	vld [tilespmem:s9+$0xFFFFFFF0];
	[tilespmem:s7+$0xFFFFFFF0] =	vst v5;
	v3 =	vadd.f32 v3, v7  }
0x1bd: {  	v5 =	vld [tilespmem:s9+$0x0];
	v7 =	vshll.u32 v16, $0x2;
	v12 =	vmul.f32 v10, v10;
	[tilespmem:s7+$0x0] =	vst v1;
	v1 =	vadd.f32 v2, v4  }
0x1be: {  	v2 =	vmul.f32 v6, v6;
	v4 =	vld [tilespmem:s9+$0x10];
	v7 =	vadd.s32 v15, v7;
	[tilespmem:s7+$0x10] =	vst v3  }
0x1bf: {  	v3 =	vld [tilespmem:s9+$0x20];
	v10 =	vmul.f32 v12, v10;
	v7 =	vperm.xlane v0, v7;
	[tilespmem:s7+$0x20] =	vst v1  }
0x1c0: {  	v11 =	vmul.f32 v11, v11;
	v12 =	vld [tilespmem:s6+$0xFFFFFF90];
	v9 =	vmul.f32 v9, v9  }
0x1c1: {  	v1 =	vmul.f32 v2, v6;
	v2 =	vld [tilespmem:s6+$0xFFFFFFA0];
	v8 =	vmul.f32 v8, v8;
	v6 =	vadd.f32 v10, v7  }
0x1c2: {  	s7 =	sadd.s32 $0x80, s7;
	v7 =	vmul.f32 v11, v11;
	v10 =	vld [tilespmem:s6+$0xFFFFFFB0];
	v13 =	vmul.f32 v5, v5  }
0x1c3: {  	v5 =	vmul.f32 v9, v9;
	v14 =	vld [tilespmem:s6+$0xFFFFFFC0];
	v15 =	vmul.f32 v4, v4;
	[tilespmem:s7+$0x30] =	vst v6  }
0x1c4: {  	v4 =	vmul.f32 v8, v8;
	v16 =	vld [tilespmem:s6+$0xFFFFFFD0];
	v18 =	vmul.f32 v3, v3  }
0x1c5: {  	v3 =	vmul.f32 v13, v13;
	v19 =	vshll.u32 v12, $0x2;
	v17 =	vmul.f32 v15, v15;
	v20 =	vld [tilespmem:s6+$0xFFFFFFE0]  }
0x1c6: {  	v7 =	vmul.f32 v7, v11;
	v21 =	vld [tilespmem:s6+$0xFFFFFF80];
	v12 =	vshll.u32 v2, $0x2;
	v2 =	vmul.f32 v18, v18  }
0x1c7: {  	v6 =	vmul.f32 v5, v9;
	v5 =	vmul.f32 v4, v8;
	v22 =	vld [tilespmem:s6+$0x0];
	v10 =	vshll.u32 v10, $0x2  }
0x1c8: {  	v4 =	vmul.f32 v3, v13;
	v3 =	vmul.f32 v17, v15;
	v23 =	vld [tilespmem:s6+$0x10];
	v11 =	vshll.u32 v14, $0x2  }
.Ltmp7:
0x1c9: {  	v2 =	vmul.f32 v2, v18;
	v17 =	vld [tilespmem:s6+$0x20];
	v9 =	vshll.u32 v16, $0x2;
	(pc) =	sbr.rel @p1 .LBB2_12-.Ltmp7, $4  }
0x1ca: {  	v16 =	vld [tilespmem:s6+$0x30];
	v8 =	vshll.u32 v20, $0x2  }
0x1cb: {  	v13 =	vshll.u32 v21, $0x2;
	v15 =	vld [tilespmem:s6+$0x40]  }
0x1cc: {  	v14 =	vadd.s32 v22, v13;
	v13 =	vld [tilespmem:s6+$0x50]  }
0x1cd: {  	s9 =	sadd.s32 $0x80, s9;
	v18 =	vperm.xlane v0, v14;
	v19 =	vadd.s32 v23, v19;
	v14 =	vld [tilespmem:s6+$0x60]  }
0x1ce: {  	v19 =	vperm.xlane v0, v19;
	v12 =	vadd.s32 v17, v12  }
0x1cf: {  	v1 =	vadd.f32 v1, v18;
	v12 =	vperm.xlane v0, v12;
	v10 =	vadd.s32 v16, v10  }
0x1d0: {  	v7 =	vadd.f32 v7, v19;
	v10 =	vperm.xlane v0, v10;
	v11 =	vadd.s32 v15, v11  }
0x1d1: {  	[tilespmem:s7+$0xFFFFFFC0] =	vst v1;
	v1 =	vadd.f32 v6, v12;
	v61 =	vperm.xlane v0, v11;
	v9 =	vadd.s32 v13, v9  }
0x1d2: {  	[tilespmem:s7+$0xFFFFFFD0] =	vst v7;
	v5 =	vadd.f32 v5, v10;
	v62 =	vperm.xlane v0, v9;
	v8 =	vadd.s32 v14, v8  }
0x1d3: {  	[tilespmem:s7+$0xFFFFFFE0] =	vst v1;
	v1 =	vadd.f32 v4, v61;
	v63 =	vperm.xlane v0, v8  }
0x1d4: {  	[tilespmem:s7+$0xFFFFFFF0] =	vst v5;
	v3 =	vadd.f32 v3, v62  }
0x1d5: {  	[tilespmem:s7+$0x0] =	vst v1;
	v1 =	vadd.f32 v2, v63  }
0x1d6: {  	[tilespmem:s7+$0x10] =	vst v3  }
0x1d7: {  	[tilespmem:s7+$0x20] =	vst v1  }
0x1d8: {  	[hbm4b:s20+s21] =	stream.linear.scatter [tilespmem:s2], [sflag:$0x6], $0x2080, $0x38;
	[tilespmem:$0x10680] =	vst v63  }
0x1d9: {  	_ =	swait.ge [sflag:s3], $0x2080  }
.Ltmp8:
0x1da: {  	[sflag:s3] =	ssyncset.done $0x0;
	(pc) =	sbr.rel @p0 .LBB2_17-.Ltmp8, $4  }
0x1db: {  	[sflag:s3] =	ssyncadd.s32 $0xFFFFDF80  }
0x1dc: {  	_ =	swait.ge [sflag:s4], $0x2080  }
0x1dd: {  	[sflag:s4] =	ssyncset.done $0x0  }
0x1de: {  	[sflag:s4] =	ssyncadd.s32 $0xFFFFDF80  }
0x1df: {  	s6 =	simm.s32 $0x0;
	s7 =	rddreg [dreg:$0xd];
	s8 =	simm.s32 $0x10480  }
0x1e0: {  	[tilespmem:s8], [sflag:$0x7] =	stream.linear.gather [hbm4b:s7+s6], $0x100, $0x38;
	[tilespmem:$0x10680] =	vst v63  }
0x1e1: {  	_ =	swait.ge [sflag:s26], $0x100  }
0x1e2: {  	[sflag:s26] =	ssyncset.done $0x0  }
0x1e3: {  	s9 =	simm.s32 $0x10580;
	s8 =	rddreg [dreg:$0xe];
	[sflag:s26] =	ssyncadd.s32 $0xFFFFFF00  }
0x1e4: {  	[tilespmem:s9], [sflag:$0x7] =	stream.linear.gather [hbm4b:s8+s6], $0x80, $0x38;
	[tilespmem:$0x10680] =	vst v63  }
0x1e5: {  	_ =	swait.ge [sflag:s26], $0x80  }
0x1e6: {  	[sflag:s26] =	ssyncset.done $0x0  }
0x1e7: {  	p1 =	por $0x1, $0x1;
	[sflag:s26] =	ssyncadd.s32 $0xFFFFFF80  }
.LBB2_15:
0x1e8: {  	v1 =	vld [tilespmem:s6+$0x10480]  }
0x1e9: {  	v2 =	vld [tilespmem:s6+$0x10580]  }
0x1ea: {  	v3 =	vld [tilespmem:s6+$0x10500]  }
0x1eb: {  	v5 =	vld [tilespmem:s6+$0x10590]  }
0x1ec: {  	v7 =	vld [tilespmem:s6+$0x104A0]  }
0x1ed: {  	v8 =	vld [tilespmem:s6+$0x105A0]  }
0x1ee: {  	v10 =	vld [tilespmem:s6+$0x105B0]  }
0x1ef: {  	v58 =	vld [tilespmem:s6+$0x104B0];
	v2 =	vmul.f32 v2, v2  }
0x1f0: {  	v4 =	vld [tilespmem:s6+$0x10490]  }
0x1f1: {  	v6 =	vld [tilespmem:s6+$0x10510];
	v1 =	vshll.u32 v1, $0x2;
	v9 =	vmul.f32 v2, v2  }
0x1f2: {  	v57 =	vld [tilespmem:s6+$0x10520];
	v59 =	vmul.f32 v8, v8;
	v1 =	vadd.s32 v3, v1;
	v3 =	vmul.f32 v5, v5  }
0x1f3: {  	v12 =	vld [tilespmem:s6+$0x10530];
	v1 =	vperm.xlane v0, v1;
	v2 =	vmul.f32 v9, v2  }
0x1f4: {  	v60 =	vmul.f32 v10, v10;
	v7 =	vshll.u32 v7, $0x2;
	v61 =	vshll.u32 v58, $0x2  }
0x1f5: {  	v11 =	vmul.f32 v3, v3;
	v1 =	vadd.f32 v2, v1;
	v2 =	vshll.u32 v4, $0x2  }
0x1f6: {  	v8 =	vmul.f32 v59, v59;
	v62 =	vmul.f32 v60, v60;
	v2 =	vadd.s32 v6, v2  }
0x1f7: {  	v5 =	vadd.s32 v57, v7;
	v3 =	vmul.f32 v11, v3;
	v2 =	vperm.xlane v0, v2  }
0x1f8: {  	p2 =	por p1, p1;
	v7 =	vadd.s32 v12, v61;
	v5 =	vperm.xlane v0, v5;
	v4 =	vmul.f32 v8, v59  }
.Ltmp9:
0x1f9: {  	v63 =	vperm.xlane v0, v7;
	v2 =	vadd.f32 v3, v2;
	v3 =	vmul.f32 v62, v60;
	(pc) =	sbr.rel @p2 .LBB2_15-.Ltmp9, $4  }
0x1fa: {  	[tilespmem:s6+$0x10600] =	vst v1;
	v1 =	vadd.f32 v4, v5  }
0x1fb: {  	[tilespmem:s6+$0x10610] =	vst v2;
	v2 =	vadd.f32 v3, v63  }
0x1fc: {  	[tilespmem:s6+$0x10620] =	vst v1  }
0x1fd: {  	p1 =	por $0x0, $0x0;
	[tilespmem:s6+$0x10630] =	vst v2;
	s6 =	simm.s32 $0x40  }
.Ltmp10:
0x1fe: {  	s6 =	rddreg [dreg:$0xf];
	s7 =	simm.s32 $0x10600;
	(pc) =	sbr.rel .LBB2_17-.Ltmp10, $4  }
0x1ff: {  	[hbm4b:s6+s21] =	stream.linear.scatter [tilespmem:s7], [sflag:$0x7], $0x80, $0x38;
	[tilespmem:$0x10680] =	vst v63  }
0x200: {  	_ =	swait.ge [sflag:s26], $0x80  }
0x201: {  	[sflag:s26] =	ssyncset.done $0x0  }
0x202: {  	[sflag:s26] =	ssyncadd.s32 $0xFFFFFF80  }
.LBB2_18:
0x203: {  	_ =	sfence.sel $0x180000  }
0x204: {  	[bflag:$0x0] =	sbarrier.arrive $0xFFFF  }
0x205: {  	_ =	strace $0x90000047  }
0x206: {  	s0 =	stileid.u32;
	[bflag:$0x2] =	sbarrier.arrive $0xFFFF  }
0x207: {  	p0 =	sne.s32 s0, $0x0;
	s0 =	rddreg [dreg:$0x4]  }
0x208: {  	s0 =	sadd.s32 @!p0 $0x100000, s0  }
0x209: {  	[sflag:s0] =	ssyncadd.tile.s32 @!p0 $0x1;
	_ =	shalt  }
.Lfunc_end2:
_tile_overlayer_lowered:
.L_overlay_start_2:
0x20a: {  	(tag) =	ssettag $0x2  }
0x20b: {  	s0 =	rddreg [dreg:$0x0];
	s2 =	stileid.u32  }
0x20c: {  	s1 =	rddreg [dreg:$0x1];
	p0 =	sne.s32 s2, $0x0  }
0x20d: {  	s3 =	rddreg [dreg:$0x2];
	[bflag:$0x3] =	sbarrier.arrive $0xFFFF;
	s2 =	simm.s32 @!p0 $0x1C07  }
0x20e: {  	[timem:s3], [sflag:s2] =	dma.local @!p0 [hbm:s0], s1  }
0x20f: {  	s0 =	simm.s32 @!p0 $0x7  }
0x210: {  	_ =	swait.ge @!p0 [sflag:s0], s1  }
0x211: {  	s1 =	ssub.s32 @!p0 $0x0, s1;
	[sflag:s0] =	ssyncset.done @!p0 $0x0  }
0x212: {  	[sflag:s0] =	ssyncadd.s32 @!p0 s1  }
0x213: {  	[bflag:$0x3] =	sbarrier.arrive $0xFFFF  }
0x214: {  	_ =	shalt  }

</sc_bundles>
